<compile_context>
chip_gen: v7x
topology: tpu7x:2x2x1
jax: 0.10.2.dev20260603
libtpu: 0.0.44.dev20260713+nightly
codegen_flags: <defaults>
</compile_context>

<pallas_src>
import functools

import jax
import jax.numpy as jnp
from jax import lax
from jax.experimental import pallas as pl
from jax.experimental.pallas import tpu as pltpu
from jax.experimental.pallas import tpu_sc as plsc

S, B, D = 2048, 2, 1024
E, CAP, DFF, FH = 64, 128, 512, 2048
T = S * B
TB = 512
NBLK = T // TB
BUF_ROWS = E * CAP + CAP
DUMP = E * CAP

NC, NS = 2, 16
NW = NC * NS
CHUNK = 64
NCHUNK = T // CHUNK
CPW = NCHUNK // NW


def _stage_a(x_ref, res_ref, w1_ref, b1_ref, w2_ref, b2_ref, g_ref, b_ref,
             wg_ref, xn_ref, sc_ref, ss_ref, sl_ref, cf_ref, la_ref,
             cnt_ref, ce_ref):
    i = pl.program_id(0)

    @pl.when(i == 0)
    def _init():
        cnt_ref[...] = jnp.zeros((1, E), jnp.float32)
        ce_ref[...] = jnp.zeros((1, E), jnp.float32)

    xb = x_ref[...]
    h1 = jnp.maximum(
        jnp.dot(xb, w1_ref[...], preferred_element_type=jnp.float32)
        + b1_ref[...], 0.0)
    resb = res_ref[...]
    res_il = jnp.stack([resb[0], resb[1]], axis=1).reshape(TB, D)
    h = (jnp.dot(h1, w2_ref[...], preferred_element_type=jnp.float32)
         + b2_ref[...] + res_il)
    sc_ref[...] = h

    mu = jnp.mean(h, axis=1, keepdims=True)
    var = jnp.mean((h - mu) ** 2, axis=1, keepdims=True)
    xn = (h - mu) * lax.rsqrt(var + 1e-5) * g_ref[...] + b_ref[...]
    xn_ref[...] = xn

    logits = jnp.dot(xn, wg_ref[...], preferred_element_type=jnp.float32)
    m = jnp.max(logits, axis=1, keepdims=True)
    ex = jnp.exp(logits - m)
    gates = ex / jnp.sum(ex, axis=1, keepdims=True)
    gate = jnp.max(gates, axis=1, keepdims=True)

    iota_e = lax.broadcasted_iota(jnp.int32, (TB, E), 1)
    eq = logits == m
    eidx = jnp.min(jnp.where(eq, iota_e, E), axis=1, keepdims=True)
    onehot = iota_e == eidx
    oh = onehot.astype(jnp.float32)

    ir = lax.broadcasted_iota(jnp.int32, (TB, TB), 0)
    ic = lax.broadcasted_iota(jnp.int32, (TB, TB), 1)
    tri = (ir >= ic).astype(jnp.float32)
    csum = jnp.dot(tri, oh, preferred_element_type=jnp.float32)

    pos_f = csum + cnt_ref[...] - 1.0
    pos = jnp.sum(jnp.where(onehot, pos_f, 0.0), axis=1, keepdims=True)
    keep = pos < float(CAP)
    posc = jnp.minimum(pos, float(CAP - 1)).astype(jnp.int32)
    slot_c = eidx * CAP + posc
    ss_ref[...] = jnp.where(keep, slot_c, DUMP)
    sl_ref[...] = slot_c
    cf_ref[...] = jnp.where(keep, gate, 0.0)

    oh_sum = jnp.sum(oh, axis=0, keepdims=True)
    cnt_new = cnt_ref[...] + oh_sum
    ce_new = ce_ref[...] + jnp.sum(gates, axis=0, keepdims=True)
    cnt_ref[...] = cnt_new
    ce_ref[...] = ce_new

    @pl.when(i == NBLK - 1)
    def _laux():
        me = cnt_new / float(T)
        ce = ce_new / float(T)
        la_ref[...] = float(E) * jnp.sum(me * ce, axis=1, keepdims=True)


def _run_stage_a(xf, resf, w1, b1, w2, b2, ln_g, ln_b, wg):
    return pl.pallas_call(
        _stage_a,
        grid=(NBLK,),
        in_specs=[
            pl.BlockSpec((TB, D), lambda i: (i, 0)),
            pl.BlockSpec((B, TB // B, D), lambda i: (0, i, 0)),
            pl.BlockSpec((D, FH), lambda i: (0, 0)),
            pl.BlockSpec((1, FH), lambda i: (0, 0)),
            pl.BlockSpec((FH, D), lambda i: (0, 0)),
            pl.BlockSpec((1, D), lambda i: (0, 0)),
            pl.BlockSpec((1, D), lambda i: (0, 0)),
            pl.BlockSpec((1, D), lambda i: (0, 0)),
            pl.BlockSpec((D, E), lambda i: (0, 0)),
        ],
        out_specs=[
            pl.BlockSpec((TB, D), lambda i: (i, 0)),
            pl.BlockSpec((TB, D), lambda i: (i, 0)),
            pl.BlockSpec((TB, 1), lambda i: (i, 0)),
            pl.BlockSpec((TB, 1), lambda i: (i, 0)),
            pl.BlockSpec((TB, 1), lambda i: (i, 0)),
            pl.BlockSpec((1, 1), lambda i: (0, 0)),
        ],
        out_shape=[
            jax.ShapeDtypeStruct((T, D), jnp.float32),
            jax.ShapeDtypeStruct((T, D), jnp.float32),
            jax.ShapeDtypeStruct((T, 1), jnp.int32),
            jax.ShapeDtypeStruct((T, 1), jnp.int32),
            jax.ShapeDtypeStruct((T, 1), jnp.float32),
            jax.ShapeDtypeStruct((1, 1), jnp.float32),
        ],
        scratch_shapes=[
            pltpu.VMEM((1, E), jnp.float32),
            pltpu.VMEM((1, E), jnp.float32),
        ],
    )(xf, resf, w1, b1, w2, b2, ln_g, ln_b, wg)


def _sc_scatter(xn_hbm, idx_hbm, buf_hbm, idx_v, rows_v, sem):
    wid = lax.axis_index("s") * NC + lax.axis_index("c")
    for j in range(CPW):
        c = wid * CPW + j
        pltpu.sync_copy(idx_hbm.at[c], idx_v)
        pltpu.sync_copy(xn_hbm.at[pl.ds(c * CHUNK, CHUNK)], rows_v)
        pltpu.async_copy(rows_v, buf_hbm.at[idx_v], sem).wait()


@functools.lru_cache(maxsize=None)
def _sc_scatter_call():
    return pl.kernel(
        _sc_scatter,
        mesh=plsc.VectorSubcoreMesh(core_axis_name="c", subcore_axis_name="s"),
        out_type=jax.ShapeDtypeStruct((BUF_ROWS, D), jnp.float32),
        scratch_types=[
            pltpu.VMEM((CHUNK,), jnp.int32),
            pltpu.VMEM((CHUNK, D), jnp.float32),
            pltpu.SemaphoreType.DMA,
        ],
    )


def _sc_gather(oe_hbm, idx_hbm, out_hbm, idx_v, rows_v, sem):
    wid = lax.axis_index("s") * NC + lax.axis_index("c")
    for j in range(CPW):
        c = wid * CPW + j
        pltpu.sync_copy(idx_hbm.at[c], idx_v)
        pltpu.async_copy(oe_hbm.at[idx_v], rows_v, sem).wait()
        pltpu.sync_copy(rows_v, out_hbm.at[pl.ds(c * CHUNK, CHUNK)])


@functools.lru_cache(maxsize=None)
def _sc_gather_call():
    return pl.kernel(
        _sc_gather,
        mesh=plsc.VectorSubcoreMesh(core_axis_name="c", subcore_axis_name="s"),
        out_type=jax.ShapeDtypeStruct((T, D), jnp.float32),
        scratch_types=[
            pltpu.VMEM((CHUNK,), jnp.int32),
            pltpu.VMEM((CHUNK, D), jnp.float32),
            pltpu.SemaphoreType.DMA,
        ],
    )


def _stage_d(buf_ref, w1_ref, b1_ref, w2_ref, b2_ref, oe_ref):
    xb = buf_ref[...]
    w1e = w1_ref[...].reshape(D, DFF)
    w2e = w2_ref[...].reshape(DFF, D)
    h = jnp.maximum(
        jnp.dot(xb, w1e, preferred_element_type=jnp.float32)
        + b1_ref[...].reshape(1, DFF), 0.0)
    oe_ref[...] = (jnp.dot(h, w2e, preferred_element_type=jnp.float32)
                   + b2_ref[...].reshape(1, D))


def _run_stage_d(buf, we1, be1, we2, be2):
    return pl.pallas_call(
        _stage_d,
        grid=(E,),
        in_specs=[
            pl.BlockSpec((CAP, D), lambda e: (e, 0)),
            pl.BlockSpec((1, D, DFF), lambda e: (e, 0, 0)),
            pl.BlockSpec((1, 1, DFF), lambda e: (e, 0, 0)),
            pl.BlockSpec((1, DFF, D), lambda e: (e, 0, 0)),
            pl.BlockSpec((1, 1, D), lambda e: (e, 0, 0)),
        ],
        out_specs=[pl.BlockSpec((CAP, D), lambda e: (e, 0))],
        out_shape=[jax.ShapeDtypeStruct((E * CAP, D), jnp.float32)],
    )(buf, we1, be1, we2, be2)[0]


def _stage_f(gat_ref, cf_ref, sc_ref, out_ref):
    out_ref[...] = gat_ref[...] * cf_ref[...] + sc_ref[...]


def _run_stage_f(gathered, coef, shortcut):
    return pl.pallas_call(
        _stage_f,
        grid=(NBLK,),
        in_specs=[
            pl.BlockSpec((TB, D), lambda i: (i, 0)),
            pl.BlockSpec((TB, 1), lambda i: (i, 0)),
            pl.BlockSpec((TB, D), lambda i: (i, 0)),
        ],
        out_specs=[pl.BlockSpec((TB, D), lambda i: (i, 0))],
        out_shape=[jax.ShapeDtypeStruct((T, D), jnp.float32)],
    )(gathered, coef, shortcut)[0]


def kernel(x, residual, w1, b1, w2, b2, ln_g, ln_b, wg, we1, be1, we2, be2):
    xf = x.reshape(T, D)

    xn, shortcut, slot_s, slot_c, coef, la = _run_stage_a(
        xf, residual, w1, b1.reshape(1, FH), w2, b2.reshape(1, D),
        ln_g.reshape(1, D), ln_b.reshape(1, D), wg)

    buf = _sc_scatter_call()(xn, slot_s.reshape(NCHUNK, CHUNK))
    oe = _run_stage_d(buf, we1, be1.reshape(E, 1, DFF),
                      we2, be2.reshape(E, 1, D))
    gathered = _sc_gather_call()(oe, slot_c.reshape(NCHUNK, CHUNK))
    out = _run_stage_f(gathered, coef, shortcut)

    return out.reshape(S, B, D), la.reshape(())

# --- scband reference (transcript-rebuilt; emitter-appended) ---
"""Pipeline reference for scband-seq-mo-alayer-3564822856004 (READ-ONLY COPY).

The authoritative reference and input builder live on the scoring server;
editing this copy changes nothing except your own understanding.
"""

import jax, jax.numpy as jnp
import numpy as np

S, B, D = 2048, 2, 1024
E, TOPK, DFF, FH, CAP = 64, 1, 512, 2048, 128


def setup_inputs(seed: int = 0) -> dict:
    key = jax.random.key(seed)
    ks = jax.random.split(key, 8)
    def n(k, shape, scale=0.02):
        return jax.random.normal(k, shape, dtype=jnp.float32) * scale
    return {
        "x": jax.random.normal(ks[0], (S, B, D), dtype=jnp.float32),
        "residual": jax.random.normal(ks[1], (B, S, D), dtype=jnp.float32),
        "w1": n(ks[2], (D, FH)),
        "b1": jnp.zeros((FH,), jnp.float32),
        "w2": n(ks[3], (FH, D)),
        "b2": jnp.zeros((D,), jnp.float32),
        "ln_g": jnp.ones((D,), jnp.float32),
        "ln_b": jnp.zeros((D,), jnp.float32),
        "wg": n(ks[4], (D, E)),
        "we1": n(ks[5], (E, D, DFF)),
        "be1": jnp.zeros((E, DFF), jnp.float32),
        "we2": n(ks[6], (E, DFF, D)),
        "be2": jnp.zeros((E, D), jnp.float32),
    }


def _moe(xt, wg, we1, be1, we2, be2):
    # top-1 switch-style MoE with fixed capacity (memory-bound dispatch/combine)
    logits = xt @ wg
    gates = jax.nn.softmax(logits, axis=-1)
    eidx = jnp.argmax(gates, axis=-1)                       # [T] int
    gate = jnp.take_along_axis(gates, eidx[:, None], axis=-1)[:, 0]
    onehot = jax.nn.one_hot(eidx, E, dtype=jnp.float32)     # [T, E]
    pos_f = jnp.cumsum(onehot, axis=0) - 1.0
    pos = jnp.sum(pos_f * onehot, axis=-1).astype(jnp.int32)  # position within expert
    keep = (pos < CAP).astype(jnp.float32)
    posc = jnp.minimum(pos, CAP - 1)
    # dispatch: scatter-add tokens into per-expert capacity buffers
    buf = jnp.zeros((E, CAP, D), jnp.float32).at[eidx, posc].add(xt * keep[:, None])
    h = jax.nn.relu(jnp.einsum('ecd,edf->ecf', buf, we1) + be1[:, None, :])
    oe = jnp.einsum('ecf,efd->ecd', h, we2) + be2[:, None, :]
    # combine: gather each token's expert output, scale by its gate
    out = oe[eidx, posc] * (gate * keep)[:, None]
    # load-balancing auxiliary loss
    me = jnp.mean(onehot, axis=0)
    ce = jnp.mean(gates, axis=0)
    l_aux = E * jnp.sum(me * ce)
    return out, l_aux


def reference(x, residual, w1, b1, w2, b2, ln_g, ln_b, wg, we1, be1, we2, be2):
    # residual comes in [B, S, D]; transpose to match x [S, B, D]
    res = jnp.transpose(residual, (1, 0, 2))
    # ffn_fn(x)
    h = jnp.maximum(x @ w1 + b1, 0.0) @ w2 + b2
    h = h + res
    shortcut = h
    # LayerNorm(model_dim, elementwise_affine=True)
    mu = jnp.mean(h, axis=-1, keepdims=True)
    var = jnp.mean((h - mu) ** 2, axis=-1, keepdims=True)
    xn = (h - mu) * jax.lax.rsqrt(var + 1e-5) * ln_g + ln_b
    # moa_layer over flattened tokens
    xt = xn.reshape(S * B, D)
    mo, l_aux = _moe(xt, wg, we1, be1, we2, be2)
    out = mo.reshape(S, B, D) + shortcut
    return out, l_aux

if __name__ == "__main__":
    import jax
    _d = setup_inputs()
    print(jax.jit(kernel)(*tuple(_d.values())))

</pallas_src>

<mosaic_0001>
#map = affine_map<(d0, d1) -> (0, 0)>
module attributes {stable_mosaic.version = 14 : i64} {
  func.func @_sc_scatter(%arg0: i32, %arg1: i32, %arg2: memref<4096x1024xf32, #tpu.memory_space<hbm>>, %arg3: memref<64x64xi32, #tpu.memory_space<hbm>>, %arg4: memref<8320x1024xf32, #tpu.memory_space<hbm>>, %arg5: memref<64xi32, #tpu.memory_space<vmem>>, %arg6: memref<64x1024xf32, #tpu.memory_space<vmem>>, %arg7: memref<!tpu.dma_semaphore, #tpu.memory_space<semaphore_mem>>) attributes {dimension_semantics = [#tpu.dimension_semantics<core_parallel>, #tpu.dimension_semantics<subcore_parallel>], iteration_bounds = array<i64: 2, 16>, scalar_prefetch = 0 : i64, scratch_operands = 3 : i64, tpu.core_type = #tpu.core_type<sc_vector_subcore>, window_params = [{transform_indices = #map}, {transform_indices = #map}, {transform_indices = #map}]} {
    %mul3A = arith.constant 2 : i32
    %mul3A_0 = arith.muli %arg1, %mul3A : i32
    %add3A = arith.addi %mul3A_0, %arg0 : i32
    %mul3A_1 = arith.constant 2 : i32
    %mul3A_2 = arith.muli %add3A, %mul3A_1 : i32
    %add3A_3 = arith.constant 0 : i32
    %add3A_4 = arith.addi %mul3A_2, %add3A_3 : i32
    "tpu.region"() ({
      %run_scoped3A = tpu.sem_alloc : memref<!tpu.dma_semaphore, #tpu.memory_space<semaphore_mem>>
      %dma_start3A_23 = arith.constant 0 : i32
      %dma_start3A_24 = tpu.memref_slice %arg3[%add3A_4, %dma_start3A_23] : memref<64x64xi32, #tpu.memory_space<hbm>> -> memref<1x64xi32, #tpu.memory_space<hbm>>
      %dma_start3A_25 = tpu.memref_squeeze %dma_start3A_24 : memref<1x64xi32, #tpu.memory_space<hbm>> -> memref<64xi32, #tpu.memory_space<hbm>>
      %dma_start3A_26 = arith.constant 0 : i32
      %dma_start3A_27 = tpu.memref_slice %arg3[%add3A_4, %dma_start3A_26] : memref<64x64xi32, #tpu.memory_space<hbm>> -> memref<1x64xi32, #tpu.memory_space<hbm>>
      %dma_start3A_28 = tpu.memref_squeeze %dma_start3A_27 : memref<1x64xi32, #tpu.memory_space<hbm>> -> memref<64xi32, #tpu.memory_space<hbm>>
      tpu.enqueue_dma source(%dma_start3A_28 : memref<64xi32, #tpu.memory_space<hbm>>) target(%arg5 : memref<64xi32, #tpu.memory_space<vmem>>) target_semaphore(%run_scoped3A : memref<!tpu.dma_semaphore, #tpu.memory_space<semaphore_mem>>)
      %dma_wait3A_29 = arith.constant 0 : i32
      %dma_wait3A_30 = tpu.memref_slice %arg3[%add3A_4, %dma_wait3A_29] : memref<64x64xi32, #tpu.memory_space<hbm>> -> memref<1x64xi32, #tpu.memory_space<hbm>>
      %dma_wait3A_31 = tpu.memref_squeeze %dma_wait3A_30 : memref<1x64xi32, #tpu.memory_space<hbm>> -> memref<64xi32, #tpu.memory_space<hbm>>
      %dma_wait3A_32 = arith.constant 0 : i32
      %dma_wait3A_33 = tpu.memref_slice %arg3[%add3A_4, %dma_wait3A_32] : memref<64x64xi32, #tpu.memory_space<hbm>> -> memref<1x64xi32, #tpu.memory_space<hbm>>
      %dma_wait3A_34 = tpu.memref_squeeze %dma_wait3A_33 : memref<1x64xi32, #tpu.memory_space<hbm>> -> memref<64xi32, #tpu.memory_space<hbm>>
      tpu.wait_dma2 semaphore(%run_scoped3A : memref<!tpu.dma_semaphore, #tpu.memory_space<semaphore_mem>>) src(%dma_wait3A_34 : memref<64xi32, #tpu.memory_space<hbm>>) dst(%arg5 : memref<64xi32, #tpu.memory_space<vmem>>)
      tpu.yield
    }) : () -> ()
    %mul3A_5 = arith.constant 64 : i32
    %mul3A_6 = arith.muli %add3A_4, %mul3A_5 : i32
    "tpu.region"() ({
      %run_scoped3A = tpu.sem_alloc : memref<!tpu.dma_semaphore, #tpu.memory_space<semaphore_mem>>
      %dma_start3A_23 = arith.constant 0 : i32
      %dma_start3A_24 = tpu.memref_slice %arg2[%mul3A_6, %dma_start3A_23] : memref<4096x1024xf32, #tpu.memory_space<hbm>> -> memref<64x1024xf32, #tpu.memory_space<hbm>>
      %dma_start3A_25 = arith.constant 0 : i32
      %dma_start3A_26 = tpu.memref_slice %arg2[%mul3A_6, %dma_start3A_25] : memref<4096x1024xf32, #tpu.memory_space<hbm>> -> memref<64x1024xf32, #tpu.memory_space<hbm>>
      tpu.enqueue_dma source(%dma_start3A_26 : memref<64x1024xf32, #tpu.memory_space<hbm>>) target(%arg6 : memref<64x1024xf32, #tpu.memory_space<vmem>>) target_semaphore(%run_scoped3A : memref<!tpu.dma_semaphore, #tpu.memory_space<semaphore_mem>>)
      %dma_wait3A_27 = arith.constant 0 : i32
      %dma_wait3A_28 = tpu.memref_slice %arg2[%mul3A_6, %dma_wait3A_27] : memref<4096x1024xf32, #tpu.memory_space<hbm>> -> memref<64x1024xf32, #tpu.memory_space<hbm>>
      %dma_wait3A_29 = arith.constant 0 : i32
      %dma_wait3A_30 = tpu.memref_slice %arg2[%mul3A_6, %dma_wait3A_29] : memref<4096x1024xf32, #tpu.memory_space<hbm>> -> memref<64x1024xf32, #tpu.memory_space<hbm>>
      tpu.wait_dma2 semaphore(%run_scoped3A : memref<!tpu.dma_semaphore, #tpu.memory_space<semaphore_mem>>) src(%dma_wait3A_30 : memref<64x1024xf32, #tpu.memory_space<hbm>>) dst(%arg6 : memref<64x1024xf32, #tpu.memory_space<vmem>>)
      tpu.yield
    }) : () -> ()
    %dma_start3A = arith.constant 0 : i32
    %dma_start3A_7 = arith.constant 0 : i32
    %dma_start3A_8 = tpu.memref_slice %arg4[%dma_start3A, %dma_start3A_7] : memref<8320x1024xf32, #tpu.memory_space<hbm>> -> memref<8320x1024xf32, #tpu.memory_space<hbm>>
    tpu.enqueue_indirect_dma source(%arg6 : memref<64x1024xf32, #tpu.memory_space<vmem>>) target(%dma_start3A_8 : memref<8320x1024xf32, #tpu.memory_space<hbm>>) offsets(%arg5 : memref<64xi32, #tpu.memory_space<vmem>>) semaphore(%arg7 : memref<!tpu.dma_semaphore, #tpu.memory_space<semaphore_mem>>)
    %dma_wait3A = arith.constant 0 : i32
    %dma_wait3A_9 = arith.constant 0 : i32
    %dma_wait3A_10 = tpu.memref_slice %arg4[%dma_wait3A, %dma_wait3A_9] : memref<8320x1024xf32, #tpu.memory_space<hbm>> -> memref<8320x1024xf32, #tpu.memory_space<hbm>>
    tpu.wait_indirect_dma semaphore(%arg7 : memref<!tpu.dma_semaphore, #tpu.memory_space<semaphore_mem>>) src(%arg6 : memref<64x1024xf32, #tpu.memory_space<vmem>>) dst(%dma_wait3A_10 : memref<8320x1024xf32, #tpu.memory_space<hbm>>)
    %mul3A_11 = arith.constant 2 : i32
    %mul3A_12 = arith.muli %add3A, %mul3A_11 : i32
    %add3A_13 = arith.constant 1 : i32
    %add3A_14 = arith.addi %mul3A_12, %add3A_13 : i32
    "tpu.region"() ({
      %run_scoped3A = tpu.sem_alloc : memref<!tpu.dma_semaphore, #tpu.memory_space<semaphore_mem>>
      %dma_start3A_23 = arith.constant 0 : i32
      %dma_start3A_24 = tpu.memref_slice %arg3[%add3A_14, %dma_start3A_23] : memref<64x64xi32, #tpu.memory_space<hbm>> -> memref<1x64xi32, #tpu.memory_space<hbm>>
      %dma_start3A_25 = tpu.memref_squeeze %dma_start3A_24 : memref<1x64xi32, #tpu.memory_space<hbm>> -> memref<64xi32, #tpu.memory_space<hbm>>
      %dma_start3A_26 = arith.constant 0 : i32
      %dma_start3A_27 = tpu.memref_slice %arg3[%add3A_14, %dma_start3A_26] : memref<64x64xi32, #tpu.memory_space<hbm>> -> memref<1x64xi32, #tpu.memory_space<hbm>>
      %dma_start3A_28 = tpu.memref_squeeze %dma_start3A_27 : memref<1x64xi32, #tpu.memory_space<hbm>> -> memref<64xi32, #tpu.memory_space<hbm>>
      tpu.enqueue_dma source(%dma_start3A_28 : memref<64xi32, #tpu.memory_space<hbm>>) target(%arg5 : memref<64xi32, #tpu.memory_space<vmem>>) target_semaphore(%run_scoped3A : memref<!tpu.dma_semaphore, #tpu.memory_space<semaphore_mem>>)
      %dma_wait3A_29 = arith.constant 0 : i32
      %dma_wait3A_30 = tpu.memref_slice %arg3[%add3A_14, %dma_wait3A_29] : memref<64x64xi32, #tpu.memory_space<hbm>> -> memref<1x64xi32, #tpu.memory_space<hbm>>
      %dma_wait3A_31 = tpu.memref_squeeze %dma_wait3A_30 : memref<1x64xi32, #tpu.memory_space<hbm>> -> memref<64xi32, #tpu.memory_space<hbm>>
      %dma_wait3A_32 = arith.constant 0 : i32
      %dma_wait3A_33 = tpu.memref_slice %arg3[%add3A_14, %dma_wait3A_32] : memref<64x64xi32, #tpu.memory_space<hbm>> -> memref<1x64xi32, #tpu.memory_space<hbm>>
      %dma_wait3A_34 = tpu.memref_squeeze %dma_wait3A_33 : memref<1x64xi32, #tpu.memory_space<hbm>> -> memref<64xi32, #tpu.memory_space<hbm>>
      tpu.wait_dma2 semaphore(%run_scoped3A : memref<!tpu.dma_semaphore, #tpu.memory_space<semaphore_mem>>) src(%dma_wait3A_34 : memref<64xi32, #tpu.memory_space<hbm>>) dst(%arg5 : memref<64xi32, #tpu.memory_space<vmem>>)
      tpu.yield
    }) : () -> ()
    %mul3A_15 = arith.constant 64 : i32
    %mul3A_16 = arith.muli %add3A_14, %mul3A_15 : i32
    "tpu.region"() ({
      %run_scoped3A = tpu.sem_alloc : memref<!tpu.dma_semaphore, #tpu.memory_space<semaphore_mem>>
      %dma_start3A_23 = arith.constant 0 : i32
      %dma_start3A_24 = tpu.memref_slice %arg2[%mul3A_16, %dma_start3A_23] : memref<4096x1024xf32, #tpu.memory_space<hbm>> -> memref<64x1024xf32, #tpu.memory_space<hbm>>
      %dma_start3A_25 = arith.constant 0 : i32
      %dma_start3A_26 = tpu.memref_slice %arg2[%mul3A_16, %dma_start3A_25] : memref<4096x1024xf32, #tpu.memory_space<hbm>> -> memref<64x1024xf32, #tpu.memory_space<hbm>>
      tpu.enqueue_dma source(%dma_start3A_26 : memref<64x1024xf32, #tpu.memory_space<hbm>>) target(%arg6 : memref<64x1024xf32, #tpu.memory_space<vmem>>) target_semaphore(%run_scoped3A : memref<!tpu.dma_semaphore, #tpu.memory_space<semaphore_mem>>)
      %dma_wait3A_27 = arith.constant 0 : i32
      %dma_wait3A_28 = tpu.memref_slice %arg2[%mul3A_16, %dma_wait3A_27] : memref<4096x1024xf32, #tpu.memory_space<hbm>> -> memref<64x1024xf32, #tpu.memory_space<hbm>>
      %dma_wait3A_29 = arith.constant 0 : i32
      %dma_wait3A_30 = tpu.memref_slice %arg2[%mul3A_16, %dma_wait3A_29] : memref<4096x1024xf32, #tpu.memory_space<hbm>> -> memref<64x1024xf32, #tpu.memory_space<hbm>>
      tpu.wait_dma2 semaphore(%run_scoped3A : memref<!tpu.dma_semaphore, #tpu.memory_space<semaphore_mem>>) src(%dma_wait3A_30 : memref<64x1024xf32, #tpu.memory_space<hbm>>) dst(%arg6 : memref<64x1024xf32, #tpu.memory_space<vmem>>)
      tpu.yield
    }) : () -> ()
    %dma_start3A_17 = arith.constant 0 : i32
    %dma_start3A_18 = arith.constant 0 : i32
    %dma_start3A_19 = tpu.memref_slice %arg4[%dma_start3A_17, %dma_start3A_18] : memref<8320x1024xf32, #tpu.memory_space<hbm>> -> memref<8320x1024xf32, #tpu.memory_space<hbm>>
    tpu.enqueue_indirect_dma source(%arg6 : memref<64x1024xf32, #tpu.memory_space<vmem>>) target(%dma_start3A_19 : memref<8320x1024xf32, #tpu.memory_space<hbm>>) offsets(%arg5 : memref<64xi32, #tpu.memory_space<vmem>>) semaphore(%arg7 : memref<!tpu.dma_semaphore, #tpu.memory_space<semaphore_mem>>)
    %dma_wait3A_20 = arith.constant 0 : i32
    %dma_wait3A_21 = arith.constant 0 : i32
    %dma_wait3A_22 = tpu.memref_slice %arg4[%dma_wait3A_20, %dma_wait3A_21] : memref<8320x1024xf32, #tpu.memory_space<hbm>> -> memref<8320x1024xf32, #tpu.memory_space<hbm>>
    tpu.wait_indirect_dma semaphore(%arg7 : memref<!tpu.dma_semaphore, #tpu.memory_space<semaphore_mem>>) src(%arg6 : memref<64x1024xf32, #tpu.memory_space<vmem>>) dst(%dma_wait3A_22 : memref<8320x1024xf32, #tpu.memory_space<hbm>>)
    return
  }
}

#map = affine_map<(d0, d1) -> (0, 0)>
module attributes {stable_mosaic.version = 14 : i64} {
  func.func @_sc_gather(%arg0: i32, %arg1: i32, %arg2: memref<8192x1024xf32, #tpu.memory_space<hbm>>, %arg3: memref<64x64xi32, #tpu.memory_space<hbm>>, %arg4: memref<4096x1024xf32, #tpu.memory_space<hbm>>, %arg5: memref<64xi32, #tpu.memory_space<vmem>>, %arg6: memref<64x1024xf32, #tpu.memory_space<vmem>>, %arg7: memref<!tpu.dma_semaphore, #tpu.memory_space<semaphore_mem>>) attributes {dimension_semantics = [#tpu.dimension_semantics<core_parallel>, #tpu.dimension_semantics<subcore_parallel>], iteration_bounds = array<i64: 2, 16>, scalar_prefetch = 0 : i64, scratch_operands = 3 : i64, tpu.core_type = #tpu.core_type<sc_vector_subcore>, window_params = [{transform_indices = #map}, {transform_indices = #map}, {transform_indices = #map}]} {
    %mul3A = arith.constant 2 : i32
    %mul3A_0 = arith.muli %arg1, %mul3A : i32
    %add3A = arith.addi %mul3A_0, %arg0 : i32
    %mul3A_1 = arith.constant 2 : i32
    %mul3A_2 = arith.muli %add3A, %mul3A_1 : i32
    %add3A_3 = arith.constant 0 : i32
    %add3A_4 = arith.addi %mul3A_2, %add3A_3 : i32
    "tpu.region"() ({
      %run_scoped3A = tpu.sem_alloc : memref<!tpu.dma_semaphore, #tpu.memory_space<semaphore_mem>>
      %dma_start3A_23 = arith.constant 0 : i32
      %dma_start3A_24 = tpu.memref_slice %arg3[%add3A_4, %dma_start3A_23] : memref<64x64xi32, #tpu.memory_space<hbm>> -> memref<1x64xi32, #tpu.memory_space<hbm>>
      %dma_start3A_25 = tpu.memref_squeeze %dma_start3A_24 : memref<1x64xi32, #tpu.memory_space<hbm>> -> memref<64xi32, #tpu.memory_space<hbm>>
      %dma_start3A_26 = arith.constant 0 : i32
      %dma_start3A_27 = tpu.memref_slice %arg3[%add3A_4, %dma_start3A_26] : memref<64x64xi32, #tpu.memory_space<hbm>> -> memref<1x64xi32, #tpu.memory_space<hbm>>
      %dma_start3A_28 = tpu.memref_squeeze %dma_start3A_27 : memref<1x64xi32, #tpu.memory_space<hbm>> -> memref<64xi32, #tpu.memory_space<hbm>>
      tpu.enqueue_dma source(%dma_start3A_28 : memref<64xi32, #tpu.memory_space<hbm>>) target(%arg5 : memref<64xi32, #tpu.memory_space<vmem>>) target_semaphore(%run_scoped3A : memref<!tpu.dma_semaphore, #tpu.memory_space<semaphore_mem>>)
      %dma_wait3A_29 = arith.constant 0 : i32
      %dma_wait3A_30 = tpu.memref_slice %arg3[%add3A_4, %dma_wait3A_29] : memref<64x64xi32, #tpu.memory_space<hbm>> -> memref<1x64xi32, #tpu.memory_space<hbm>>
      %dma_wait3A_31 = tpu.memref_squeeze %dma_wait3A_30 : memref<1x64xi32, #tpu.memory_space<hbm>> -> memref<64xi32, #tpu.memory_space<hbm>>
      %dma_wait3A_32 = arith.constant 0 : i32
      %dma_wait3A_33 = tpu.memref_slice %arg3[%add3A_4, %dma_wait3A_32] : memref<64x64xi32, #tpu.memory_space<hbm>> -> memref<1x64xi32, #tpu.memory_space<hbm>>
      %dma_wait3A_34 = tpu.memref_squeeze %dma_wait3A_33 : memref<1x64xi32, #tpu.memory_space<hbm>> -> memref<64xi32, #tpu.memory_space<hbm>>
      tpu.wait_dma2 semaphore(%run_scoped3A : memref<!tpu.dma_semaphore, #tpu.memory_space<semaphore_mem>>) src(%dma_wait3A_34 : memref<64xi32, #tpu.memory_space<hbm>>) dst(%arg5 : memref<64xi32, #tpu.memory_space<vmem>>)
      tpu.yield
    }) : () -> ()
    %dma_start3A = arith.constant 0 : i32
    %dma_start3A_5 = arith.constant 0 : i32
    %dma_start3A_6 = tpu.memref_slice %arg2[%dma_start3A, %dma_start3A_5] : memref<8192x1024xf32, #tpu.memory_space<hbm>> -> memref<8192x1024xf32, #tpu.memory_space<hbm>>
    tpu.enqueue_indirect_dma source(%dma_start3A_6 : memref<8192x1024xf32, #tpu.memory_space<hbm>>) target(%arg6 : memref<64x1024xf32, #tpu.memory_space<vmem>>) offsets(%arg5 : memref<64xi32, #tpu.memory_space<vmem>>) semaphore(%arg7 : memref<!tpu.dma_semaphore, #tpu.memory_space<semaphore_mem>>)
    %dma_wait3A = arith.constant 0 : i32
    %dma_wait3A_7 = arith.constant 0 : i32
    %dma_wait3A_8 = tpu.memref_slice %arg2[%dma_wait3A, %dma_wait3A_7] : memref<8192x1024xf32, #tpu.memory_space<hbm>> -> memref<8192x1024xf32, #tpu.memory_space<hbm>>
    tpu.wait_indirect_dma semaphore(%arg7 : memref<!tpu.dma_semaphore, #tpu.memory_space<semaphore_mem>>) src(%dma_wait3A_8 : memref<8192x1024xf32, #tpu.memory_space<hbm>>) dst(%arg6 : memref<64x1024xf32, #tpu.memory_space<vmem>>)
    %mul3A_9 = arith.constant 64 : i32
    %mul3A_10 = arith.muli %add3A_4, %mul3A_9 : i32
    "tpu.region"() ({
      %run_scoped3A = tpu.sem_alloc : memref<!tpu.dma_semaphore, #tpu.memory_space<semaphore_mem>>
      %dma_start3A_23 = arith.constant 0 : i32
      %dma_start3A_24 = tpu.memref_slice %arg4[%mul3A_10, %dma_start3A_23] : memref<4096x1024xf32, #tpu.memory_space<hbm>> -> memref<64x1024xf32, #tpu.memory_space<hbm>>
      %dma_start3A_25 = arith.constant 0 : i32
      %dma_start3A_26 = tpu.memref_slice %arg4[%mul3A_10, %dma_start3A_25] : memref<4096x1024xf32, #tpu.memory_space<hbm>> -> memref<64x1024xf32, #tpu.memory_space<hbm>>
      tpu.enqueue_dma source(%arg6 : memref<64x1024xf32, #tpu.memory_space<vmem>>) target(%dma_start3A_26 : memref<64x1024xf32, #tpu.memory_space<hbm>>) target_semaphore(%run_scoped3A : memref<!tpu.dma_semaphore, #tpu.memory_space<semaphore_mem>>)
      %dma_wait3A_27 = arith.constant 0 : i32
      %dma_wait3A_28 = tpu.memref_slice %arg4[%mul3A_10, %dma_wait3A_27] : memref<4096x1024xf32, #tpu.memory_space<hbm>> -> memref<64x1024xf32, #tpu.memory_space<hbm>>
      %dma_wait3A_29 = arith.constant 0 : i32
      %dma_wait3A_30 = tpu.memref_slice %arg4[%mul3A_10, %dma_wait3A_29] : memref<4096x1024xf32, #tpu.memory_space<hbm>> -> memref<64x1024xf32, #tpu.memory_space<hbm>>
      tpu.wait_dma2 semaphore(%run_scoped3A : memref<!tpu.dma_semaphore, #tpu.memory_space<semaphore_mem>>) src(%arg6 : memref<64x1024xf32, #tpu.memory_space<vmem>>) dst(%dma_wait3A_30 : memref<64x1024xf32, #tpu.memory_space<hbm>>)
      tpu.yield
    }) : () -> ()
    %mul3A_11 = arith.constant 2 : i32
    %mul3A_12 = arith.muli %add3A, %mul3A_11 : i32
    %add3A_13 = arith.constant 1 : i32
    %add3A_14 = arith.addi %mul3A_12, %add3A_13 : i32
    "tpu.region"() ({
      %run_scoped3A = tpu.sem_alloc : memref<!tpu.dma_semaphore, #tpu.memory_space<semaphore_mem>>
      %dma_start3A_23 = arith.constant 0 : i32
      %dma_start3A_24 = tpu.memref_slice %arg3[%add3A_14, %dma_start3A_23] : memref<64x64xi32, #tpu.memory_space<hbm>> -> memref<1x64xi32, #tpu.memory_space<hbm>>
      %dma_start3A_25 = tpu.memref_squeeze %dma_start3A_24 : memref<1x64xi32, #tpu.memory_space<hbm>> -> memref<64xi32, #tpu.memory_space<hbm>>
      %dma_start3A_26 = arith.constant 0 : i32
      %dma_start3A_27 = tpu.memref_slice %arg3[%add3A_14, %dma_start3A_26] : memref<64x64xi32, #tpu.memory_space<hbm>> -> memref<1x64xi32, #tpu.memory_space<hbm>>
      %dma_start3A_28 = tpu.memref_squeeze %dma_start3A_27 : memref<1x64xi32, #tpu.memory_space<hbm>> -> memref<64xi32, #tpu.memory_space<hbm>>
      tpu.enqueue_dma source(%dma_start3A_28 : memref<64xi32, #tpu.memory_space<hbm>>) target(%arg5 : memref<64xi32, #tpu.memory_space<vmem>>) target_semaphore(%run_scoped3A : memref<!tpu.dma_semaphore, #tpu.memory_space<semaphore_mem>>)
      %dma_wait3A_29 = arith.constant 0 : i32
      %dma_wait3A_30 = tpu.memref_slice %arg3[%add3A_14, %dma_wait3A_29] : memref<64x64xi32, #tpu.memory_space<hbm>> -> memref<1x64xi32, #tpu.memory_space<hbm>>
      %dma_wait3A_31 = tpu.memref_squeeze %dma_wait3A_30 : memref<1x64xi32, #tpu.memory_space<hbm>> -> memref<64xi32, #tpu.memory_space<hbm>>
      %dma_wait3A_32 = arith.constant 0 : i32
      %dma_wait3A_33 = tpu.memref_slice %arg3[%add3A_14, %dma_wait3A_32] : memref<64x64xi32, #tpu.memory_space<hbm>> -> memref<1x64xi32, #tpu.memory_space<hbm>>
      %dma_wait3A_34 = tpu.memref_squeeze %dma_wait3A_33 : memref<1x64xi32, #tpu.memory_space<hbm>> -> memref<64xi32, #tpu.memory_space<hbm>>
      tpu.wait_dma2 semaphore(%run_scoped3A : memref<!tpu.dma_semaphore, #tpu.memory_space<semaphore_mem>>) src(%dma_wait3A_34 : memref<64xi32, #tpu.memory_space<hbm>>) dst(%arg5 : memref<64xi32, #tpu.memory_space<vmem>>)
      tpu.yield
    }) : () -> ()
    %dma_start3A_15 = arith.constant 0 : i32
    %dma_start3A_16 = arith.constant 0 : i32
    %dma_start3A_17 = tpu.memref_slice %arg2[%dma_start3A_15, %dma_start3A_16] : memref<8192x1024xf32, #tpu.memory_space<hbm>> -> memref<8192x1024xf32, #tpu.memory_space<hbm>>
    tpu.enqueue_indirect_dma source(%dma_start3A_17 : memref<8192x1024xf32, #tpu.memory_space<hbm>>) target(%arg6 : memref<64x1024xf32, #tpu.memory_space<vmem>>) offsets(%arg5 : memref<64xi32, #tpu.memory_space<vmem>>) semaphore(%arg7 : memref<!tpu.dma_semaphore, #tpu.memory_space<semaphore_mem>>)
    %dma_wait3A_18 = arith.constant 0 : i32
    %dma_wait3A_19 = arith.constant 0 : i32
    %dma_wait3A_20 = tpu.memref_slice %arg2[%dma_wait3A_18, %dma_wait3A_19] : memref<8192x1024xf32, #tpu.memory_space<hbm>> -> memref<8192x1024xf32, #tpu.memory_space<hbm>>
    tpu.wait_indirect_dma semaphore(%arg7 : memref<!tpu.dma_semaphore, #tpu.memory_space<semaphore_mem>>) src(%dma_wait3A_20 : memref<8192x1024xf32, #tpu.memory_space<hbm>>) dst(%arg6 : memref<64x1024xf32, #tpu.memory_space<vmem>>)
    %mul3A_21 = arith.constant 64 : i32
    %mul3A_22 = arith.muli %add3A_14, %mul3A_21 : i32
    "tpu.region"() ({
      %run_scoped3A = tpu.sem_alloc : memref<!tpu.dma_semaphore, #tpu.memory_space<semaphore_mem>>
      %dma_start3A_23 = arith.constant 0 : i32
      %dma_start3A_24 = tpu.memref_slice %arg4[%mul3A_22, %dma_start3A_23] : memref<4096x1024xf32, #tpu.memory_space<hbm>> -> memref<64x1024xf32, #tpu.memory_space<hbm>>
      %dma_start3A_25 = arith.constant 0 : i32
      %dma_start3A_26 = tpu.memref_slice %arg4[%mul3A_22, %dma_start3A_25] : memref<4096x1024xf32, #tpu.memory_space<hbm>> -> memref<64x1024xf32, #tpu.memory_space<hbm>>
      tpu.enqueue_dma source(%arg6 : memref<64x1024xf32, #tpu.memory_space<vmem>>) target(%dma_start3A_26 : memref<64x1024xf32, #tpu.memory_space<hbm>>) target_semaphore(%run_scoped3A : memref<!tpu.dma_semaphore, #tpu.memory_space<semaphore_mem>>)
      %dma_wait3A_27 = arith.constant 0 : i32
      %dma_wait3A_28 = tpu.memref_slice %arg4[%mul3A_22, %dma_wait3A_27] : memref<4096x1024xf32, #tpu.memory_space<hbm>> -> memref<64x1024xf32, #tpu.memory_space<hbm>>
      %dma_wait3A_29 = arith.constant 0 : i32
      %dma_wait3A_30 = tpu.memref_slice %arg4[%mul3A_22, %dma_wait3A_29] : memref<4096x1024xf32, #tpu.memory_space<hbm>> -> memref<64x1024xf32, #tpu.memory_space<hbm>>
      tpu.wait_dma2 semaphore(%run_scoped3A : memref<!tpu.dma_semaphore, #tpu.memory_space<semaphore_mem>>) src(%arg6 : memref<64x1024xf32, #tpu.memory_space<vmem>>) dst(%dma_wait3A_30 : memref<64x1024xf32, #tpu.memory_space<hbm>>)
      tpu.yield
    }) : () -> ()
    return
  }
}

module attributes {stable_mosaic.version = 14 : i64} {
  func.func @_stage_a(%arg0: i32, %arg1: memref<512x1024xf32, #tpu.memory_space<vmem>>, %arg2: memref<2x256x1024xf32, #tpu.memory_space<vmem>>, %arg3: memref<1024x2048xf32, #tpu.memory_space<vmem>>, %arg4: memref<1x2048xf32, #tpu.memory_space<vmem>>, %arg5: memref<2048x1024xf32, #tpu.memory_space<vmem>>, %arg6: memref<1x1024xf32, #tpu.memory_space<vmem>>, %arg7: memref<1x1024xf32, #tpu.memory_space<vmem>>, %arg8: memref<1x1024xf32, #tpu.memory_space<vmem>>, %arg9: memref<1024x64xf32, #tpu.memory_space<vmem>>, %arg10: memref<512x1024xf32, #tpu.memory_space<vmem>>, %arg11: memref<512x1024xf32, #tpu.memory_space<vmem>>, %arg12: memref<512x1xi32, #tpu.memory_space<vmem>>, %arg13: memref<512x1xi32, #tpu.memory_space<vmem>>, %arg14: memref<512x1xf32, #tpu.memory_space<vmem>>, %arg15: memref<1x1xf32, #tpu.memory_space<vmem>>, %arg16: memref<1x64xf32, #tpu.memory_space<vmem>>, %arg17: memref<1x64xf32, #tpu.memory_space<vmem>>) attributes {dimension_semantics = [#tpu.dimension_semantics<arbitrary>], iteration_bounds = array<i64: 8>, scalar_prefetch = 0 : i64, scratch_operands = 2 : i64, tpu.core_type = #tpu.core_type<tc>, window_params = [{transform_indices = @transform_0, window_bounds = array<i64: 512, 1024>}, {transform_indices = @transform_1, window_bounds = array<i64: 2, 256, 1024>}, {pipeline_mode = #tpu.pipeline_mode<synchronous>, transform_indices = @transform_2, window_bounds = array<i64: 1024, 2048>}, {pipeline_mode = #tpu.pipeline_mode<synchronous>, transform_indices = @transform_3, window_bounds = array<i64: 1, 2048>}, {pipeline_mode = #tpu.pipeline_mode<synchronous>, transform_indices = @transform_4, window_bounds = array<i64: 2048, 1024>}, {pipeline_mode = #tpu.pipeline_mode<synchronous>, transform_indices = @transform_5, window_bounds = array<i64: 1, 1024>}, {pipeline_mode = #tpu.pipeline_mode<synchronous>, transform_indices = @transform_6, window_bounds = array<i64: 1, 1024>}, {pipeline_mode = #tpu.pipeline_mode<synchronous>, transform_indices = @transform_7, window_bounds = array<i64: 1, 1024>}, {pipeline_mode = #tpu.pipeline_mode<synchronous>, transform_indices = @transform_8, window_bounds = array<i64: 1024, 64>}, {transform_indices = @transform_9, window_bounds = array<i64: 512, 1024>}, {transform_indices = @transform_10, window_bounds = array<i64: 512, 1024>}, {transform_indices = @transform_11, window_bounds = array<i64: 512, 1>}, {transform_indices = @transform_12, window_bounds = array<i64: 512, 1>}, {transform_indices = @transform_13, window_bounds = array<i64: 512, 1>}, {pipeline_mode = #tpu.pipeline_mode<synchronous>, transform_indices = @transform_14, window_bounds = array<i64: 1, 1>}]} {
    %eq3A = arith.constant 0 : i32
    %eq3A_0 = arith.cmpi eq, %arg0, %eq3A : i32
    %convert_element_type3A = arith.extui %eq3A_0 : i1 to i32
    %cond3A = arith.constant 0 : i32
    %cond3A_1 = arith.cmpi ne, %convert_element_type3A, %cond3A : i32
    scf.if %cond3A_1 {
      %broadcast_in_dim3A_159 = arith.constant 0.000000e+00 : f32
      %broadcast_in_dim3A_160 = vector.broadcast %broadcast_in_dim3A_159 : f32 to vector<1x64xf32>
      %swap3A_161 = arith.constant 0 : index
      %swap3A_162 = arith.constant 0 : index
      %swap3A_163 = vector.load %arg16[%swap3A_161, %swap3A_162] : memref<1x64xf32, #tpu.memory_space<vmem>>, vector<1x64xf32>
      tpu.vector_store %arg16[%swap3A_161, %swap3A_162], %broadcast_in_dim3A_160 {strides = array<i32>} : memref<1x64xf32, #tpu.memory_space<vmem>>, vector<1x64xf32>,
      %broadcast_in_dim3A_164 = arith.constant 0.000000e+00 : f32
      %broadcast_in_dim3A_165 = vector.broadcast %broadcast_in_dim3A_164 : f32 to vector<1x64xf32>
      %swap3A_166 = arith.constant 0 : index
      %swap3A_167 = arith.constant 0 : index
      %swap3A_168 = vector.load %arg17[%swap3A_166, %swap3A_167] : memref<1x64xf32, #tpu.memory_space<vmem>>, vector<1x64xf32>
      tpu.vector_store %arg17[%swap3A_166, %swap3A_167], %broadcast_in_dim3A_165 {strides = array<i32>} : memref<1x64xf32, #tpu.memory_space<vmem>>, vector<1x64xf32>,
    } else {
    }
    %get3A = arith.constant 0 : index
    %get3A_2 = arith.constant 0 : index
    %get3A_3 = vector.load %arg1[%get3A, %get3A_2] : memref<512x1024xf32, #tpu.memory_space<vmem>>, vector<512x1024xf32>
    %get3A_4 = arith.constant 0 : index
    %get3A_5 = arith.constant 0 : index
    %get3A_6 = vector.load %arg3[%get3A_4, %get3A_5] : memref<1024x2048xf32, #tpu.memory_space<vmem>>, vector<1024x2048xf32>
    %dot_general3A = arith.constant dense<0.000000e+00> : vector<512x2048xf32>
    %dot_general3A_7 = tpu.matmul %get3A_3, %get3A_6, %dot_general3A {dimension_numbers = #tpu.dot_dimension_numbers<[1], [0], [0], [1], [0, 0, 1, 1], [], []>, transpose_lhs_hint = false} : vector<512x1024xf32>, vector<1024x2048xf32>, vector<512x2048xf32> -> vector<512x2048xf32>
    %get3A_8 = arith.constant 0 : index
    %get3A_9 = arith.constant 0 : index
    %get3A_10 = vector.load %arg4[%get3A_8, %get3A_9] : memref<1x2048xf32, #tpu.memory_space<vmem>>, vector<1x2048xf32>
    %add3A = vector.broadcast %get3A_10 : vector<1x2048xf32> to vector<512x2048xf32>
    %add3A_11 = arith.addf %dot_general3A_7, %add3A : vector<512x2048xf32>
    %max3A = arith.constant 0.000000e+00 : f32
    %max3A_12 = vector.broadcast %max3A : f32 to vector<512x2048xf32>
    %max3A_13 = arith.maximumf %add3A_11, %max3A_12 : vector<512x2048xf32>
    %get3A_14 = arith.constant 0 : index
    %get3A_15 = arith.constant 0 : index
    %get3A_16 = arith.constant 0 : index
    %get3A_17 = vector.load %arg2[%get3A_14, %get3A_15, %get3A_16] : memref<2x256x1024xf32, #tpu.memory_space<vmem>>, vector<2x256x1024xf32>
    %slice3A = vector.extract_strided_slice %get3A_17 {offsets = [0, 0, 0], sizes = [1, 256, 1024], strides = [1, 1, 1]} : vector<2x256x1024xf32> to vector<1x256x1024xf32>
    %squeeze3A = vector.shape_cast %slice3A : vector<1x256x1024xf32> to vector<256x1024xf32>
    %slice3A_18 = vector.extract_strided_slice %get3A_17 {offsets = [1, 0, 0], sizes = [1, 256, 1024], strides = [1, 1, 1]} : vector<2x256x1024xf32> to vector<1x256x1024xf32>
    %squeeze3A_19 = vector.shape_cast %slice3A_18 : vector<1x256x1024xf32> to vector<256x1024xf32>
    %stack3A = vector.shape_cast %squeeze3A : vector<256x1024xf32> to vector<256x1x1024xf32>
    %stack3A_20 = vector.shape_cast %squeeze3A_19 : vector<256x1024xf32> to vector<256x1x1024xf32>
    %stack3A_21 = tpu.concatenate %stack3A, %stack3A_20 in 1 : vector<256x1x1024xf32>, vector<256x1x1024xf32> -> vector<256x2x1024xf32>
    %reshape3A = vector.shape_cast %stack3A_21 : vector<256x2x1024xf32> to vector<512x1024xf32>
    %get3A_22 = arith.constant 0 : index
    %get3A_23 = arith.constant 0 : index
    %get3A_24 = vector.load %arg5[%get3A_22, %get3A_23] : memref<2048x1024xf32, #tpu.memory_space<vmem>>, vector<2048x1024xf32>
    %dot_general3A_25 = arith.constant dense<0.000000e+00> : vector<512x1024xf32>
    %dot_general3A_26 = tpu.matmul %max3A_13, %get3A_24, %dot_general3A_25 {dimension_numbers = #tpu.dot_dimension_numbers<[1], [0], [0], [1], [0, 0, 1, 1], [], []>, transpose_lhs_hint = false} : vector<512x2048xf32>, vector<2048x1024xf32>, vector<512x1024xf32> -> vector<512x1024xf32>
    %get3A_27 = arith.constant 0 : index
    %get3A_28 = arith.constant 0 : index
    %get3A_29 = vector.load %arg6[%get3A_27, %get3A_28] : memref<1x1024xf32, #tpu.memory_space<vmem>>, vector<1x1024xf32>
    %add3A_30 = vector.broadcast %get3A_29 : vector<1x1024xf32> to vector<512x1024xf32>
    %add3A_31 = arith.addf %dot_general3A_26, %add3A_30 : vector<512x1024xf32>
    %add3A_32 = arith.addf %add3A_31, %reshape3A : vector<512x1024xf32>
    %swap3A = arith.constant 0 : index
    %swap3A_33 = arith.constant 0 : index
    %swap3A_34 = vector.load %arg11[%swap3A, %swap3A_33] : memref<512x1024xf32, #tpu.memory_space<vmem>>, vector<512x1024xf32>
    tpu.vector_store %arg11[%swap3A, %swap3A_33], %add3A_32 {strides = array<i32>} : memref<512x1024xf32, #tpu.memory_space<vmem>>, vector<512x1024xf32>,
    %reduce_sum3A = arith.constant dense<0.000000e+00> : vector<512xf32>
    %reduce_sum3A_35 = vector.multi_reduction <add>, %add3A_32, %reduce_sum3A [1] : vector<512x1024xf32> to vector<512xf32>
    %broadcast_in_dim3A = vector.shape_cast %reduce_sum3A_35 : vector<512xf32> to vector<512x1xf32>
    %div3A = arith.constant 1.024000e+03 : f32
    %div3A_36 = vector.broadcast %div3A : f32 to vector<512x1xf32>
    %div3A_37 = arith.divf %broadcast_in_dim3A, %div3A_36 : vector<512x1xf32>
    %sub3A = vector.broadcast %div3A_37 : vector<512x1xf32> to vector<512x1024xf32>
    %sub3A_38 = arith.subf %add3A_32, %sub3A : vector<512x1024xf32>
    %integer_pow3A = arith.mulf %sub3A_38, %sub3A_38 : vector<512x1024xf32>
    %reduce_sum3A_39 = arith.constant dense<0.000000e+00> : vector<512xf32>
    %reduce_sum3A_40 = vector.multi_reduction <add>, %integer_pow3A, %reduce_sum3A_39 [1] : vector<512x1024xf32> to vector<512xf32>
    %broadcast_in_dim3A_41 = vector.shape_cast %reduce_sum3A_40 : vector<512xf32> to vector<512x1xf32>
    %div3A_42 = arith.constant 1.024000e+03 : f32
    %div3A_43 = vector.broadcast %div3A_42 : f32 to vector<512x1xf32>
    %div3A_44 = arith.divf %broadcast_in_dim3A_41, %div3A_43 : vector<512x1xf32>
    %sub3A_45 = vector.broadcast %div3A_37 : vector<512x1xf32> to vector<512x1024xf32>
    %sub3A_46 = arith.subf %add3A_32, %sub3A_45 : vector<512x1024xf32>
    %add3A_47 = arith.constant 9.99999974E-6 : f32
    %add3A_48 = vector.broadcast %add3A_47 : f32 to vector<512x1xf32>
    %add3A_49 = arith.addf %div3A_44, %add3A_48 : vector<512x1xf32>
    %rsqrt3A = math.rsqrt %add3A_49 : vector<512x1xf32>
    %mul3A = vector.broadcast %rsqrt3A : vector<512x1xf32> to vector<512x1024xf32>
    %mul3A_50 = arith.mulf %sub3A_46, %mul3A : vector<512x1024xf32>
    %get3A_51 = arith.constant 0 : index
    %get3A_52 = arith.constant 0 : index
    %get3A_53 = vector.load %arg7[%get3A_51, %get3A_52] : memref<1x1024xf32, #tpu.memory_space<vmem>>, vector<1x1024xf32>
    %mul3A_54 = vector.broadcast %get3A_53 : vector<1x1024xf32> to vector<512x1024xf32>
    %mul3A_55 = arith.mulf %mul3A_50, %mul3A_54 : vector<512x1024xf32>
    %get3A_56 = arith.constant 0 : index
    %get3A_57 = arith.constant 0 : index
    %get3A_58 = vector.load %arg8[%get3A_56, %get3A_57] : memref<1x1024xf32, #tpu.memory_space<vmem>>, vector<1x1024xf32>
    %add3A_59 = vector.broadcast %get3A_58 : vector<1x1024xf32> to vector<512x1024xf32>
    %add3A_60 = arith.addf %mul3A_55, %add3A_59 : vector<512x1024xf32>
    %swap3A_61 = arith.constant 0 : index
    %swap3A_62 = arith.constant 0 : index
    %swap3A_63 = vector.load %arg10[%swap3A_61, %swap3A_62] : memref<512x1024xf32, #tpu.memory_space<vmem>>, vector<512x1024xf32>
    tpu.vector_store %arg10[%swap3A_61, %swap3A_62], %add3A_60 {strides = array<i32>} : memref<512x1024xf32, #tpu.memory_space<vmem>>, vector<512x1024xf32>,
    %get3A_64 = arith.constant 0 : index
    %get3A_65 = arith.constant 0 : index
    %get3A_66 = vector.load %arg9[%get3A_64, %get3A_65] : memref<1024x64xf32, #tpu.memory_space<vmem>>, vector<1024x64xf32>
    %dot_general3A_67 = arith.constant dense<0.000000e+00> : vector<512x64xf32>
    %dot_general3A_68 = tpu.matmul %add3A_60, %get3A_66, %dot_general3A_67 {dimension_numbers = #tpu.dot_dimension_numbers<[1], [0], [0], [1], [0, 0, 1, 1], [], []>, transpose_lhs_hint = false} : vector<512x1024xf32>, vector<1024x64xf32>, vector<512x64xf32> -> vector<512x64xf32>
    %reduce_max3A = arith.constant dense<0xFF800000> : vector<512xf32>
    %reduce_max3A_69 = vector.multi_reduction <maximumf>, %dot_general3A_68, %reduce_max3A [1] : vector<512x64xf32> to vector<512xf32>
    %broadcast_in_dim3A_70 = vector.shape_cast %reduce_max3A_69 : vector<512xf32> to vector<512x1xf32>
    %sub3A_71 = vector.broadcast %broadcast_in_dim3A_70 : vector<512x1xf32> to vector<512x64xf32>
    %sub3A_72 = arith.subf %dot_general3A_68, %sub3A_71 : vector<512x64xf32>
    %exp3A = math.exp %sub3A_72 : vector<512x64xf32>
    %reduce_sum3A_73 = arith.constant dense<0.000000e+00> : vector<512xf32>
    %reduce_sum3A_74 = vector.multi_reduction <add>, %exp3A, %reduce_sum3A_73 [1] : vector<512x64xf32> to vector<512xf32>
    %broadcast_in_dim3A_75 = vector.shape_cast %reduce_sum3A_74 : vector<512xf32> to vector<512x1xf32>
    %div3A_76 = vector.broadcast %broadcast_in_dim3A_75 : vector<512x1xf32> to vector<512x64xf32>
    %div3A_77 = arith.divf %exp3A, %div3A_76 : vector<512x64xf32>
    %reduce_max3A_78 = arith.constant dense<0xFF800000> : vector<512xf32>
    %reduce_max3A_79 = vector.multi_reduction <maximumf>, %div3A_77, %reduce_max3A_78 [1] : vector<512x64xf32> to vector<512xf32>
    %broadcast_in_dim3A_80 = vector.shape_cast %reduce_max3A_79 : vector<512xf32> to vector<512x1xf32>
    %iota3A = tpu.iota {dimensions = array<i32: 1>} : vector<512x64xi32>
    %eq3A_81 = vector.broadcast %broadcast_in_dim3A_70 : vector<512x1xf32> to vector<512x64xf32>
    %eq3A_82 = arith.cmpf oeq, %dot_general3A_68, %eq3A_81 : vector<512x64xf32>
    %jit3A = arith.constant 64 : i32
    %broadcast_in_dim3A_83 = vector.broadcast %jit3A : i32 to vector<512x64xi32>
    %select_n3A = arith.select %eq3A_82, %iota3A, %broadcast_in_dim3A_83 : vector<512x64xi1>, vector<512x64xi32>
    %reduce_min3A = arith.constant dense<2147483647> : vector<512xi32>
    %reduce_min3A_84 = vector.multi_reduction <minsi>, %select_n3A, %reduce_min3A [1] : vector<512x64xi32> to vector<512xi32>
    %broadcast_in_dim3A_85 = vector.shape_cast %reduce_min3A_84 : vector<512xi32> to vector<512x1xi32>
    %eq3A_86 = vector.broadcast %broadcast_in_dim3A_85 : vector<512x1xi32> to vector<512x64xi32>
    %eq3A_87 = arith.cmpi eq, %iota3A, %eq3A_86 : vector<512x64xi32>
    %convert_element_type3A_88 = arith.extui %eq3A_87 : vector<512x64xi1> to vector<512x64xi32>
    %convert_element_type3A_89 = arith.sitofp %convert_element_type3A_88 : vector<512x64xi32> to vector<512x64xf32>
    %iota3A_90 = tpu.iota {dimensions = array<i32: 0>} : vector<512x512xi32>
    %iota3A_91 = tpu.iota {dimensions = array<i32: 1>} : vector<512x512xi32>
    %ge3A = arith.cmpi sge, %iota3A_90, %iota3A_91 : vector<512x512xi32>
    %convert_element_type3A_92 = arith.extui %ge3A : vector<512x512xi1> to vector<512x512xi32>
    %convert_element_type3A_93 = arith.sitofp %convert_element_type3A_92 : vector<512x512xi32> to vector<512x512xf32>
    %dot_general3A_94 = arith.constant dense<0.000000e+00> : vector<512x64xf32>
    %dot_general3A_95 = tpu.matmul %convert_element_type3A_93, %convert_element_type3A_89, %dot_general3A_94 {dimension_numbers = #tpu.dot_dimension_numbers<[1], [0], [0], [1], [0, 0, 1, 1], [], []>, transpose_lhs_hint = false} : vector<512x512xf32>, vector<512x64xf32>, vector<512x64xf32> -> vector<512x64xf32>
    %get3A_96 = arith.constant 0 : index
    %get3A_97 = arith.constant 0 : index
    %get3A_98 = vector.load %arg16[%get3A_96, %get3A_97] : memref<1x64xf32, #tpu.memory_space<vmem>>, vector<1x64xf32>
    %add3A_99 = vector.broadcast %get3A_98 : vector<1x64xf32> to vector<512x64xf32>
    %add3A_100 = arith.addf %dot_general3A_95, %add3A_99 : vector<512x64xf32>
    %sub3A_101 = arith.constant 1.000000e+00 : f32
    %sub3A_102 = vector.broadcast %sub3A_101 : f32 to vector<512x64xf32>
    %sub3A_103 = arith.subf %add3A_100, %sub3A_102 : vector<512x64xf32>
    %jit3A_104 = arith.constant 0.000000e+00 : f32
    %broadcast_in_dim3A_105 = vector.broadcast %jit3A_104 : f32 to vector<512x64xf32>
    %select_n3A_106 = arith.select %eq3A_87, %sub3A_103, %broadcast_in_dim3A_105 : vector<512x64xi1>, vector<512x64xf32>
    %reduce_sum3A_107 = arith.constant dense<0.000000e+00> : vector<512xf32>
    %reduce_sum3A_108 = vector.multi_reduction <add>, %select_n3A_106, %reduce_sum3A_107 [1] : vector<512x64xf32> to vector<512xf32>
    %broadcast_in_dim3A_109 = vector.shape_cast %reduce_sum3A_108 : vector<512xf32> to vector<512x1xf32>
    %lt3A = arith.constant 1.280000e+02 : f32
    %lt3A_110 = vector.broadcast %lt3A : f32 to vector<512x1xf32>
    %lt3A_111 = arith.cmpf olt, %broadcast_in_dim3A_109, %lt3A_110 : vector<512x1xf32>
    %min3A = arith.constant 1.270000e+02 : f32
    %min3A_112 = vector.broadcast %min3A : f32 to vector<512x1xf32>
    %min3A_113 = arith.minimumf %broadcast_in_dim3A_109, %min3A_112 : vector<512x1xf32>
    %convert_element_type3A_114 = arith.fptosi %min3A_113 : vector<512x1xf32> to vector<512x1xi32>
    %mul3A_115 = arith.constant 128 : i32
    %mul3A_116 = vector.broadcast %mul3A_115 : i32 to vector<512x1xi32>
    %mul3A_117 = arith.muli %broadcast_in_dim3A_85, %mul3A_116 : vector<512x1xi32>
    %add3A_118 = arith.addi %mul3A_117, %convert_element_type3A_114 : vector<512x1xi32>
    %jit3A_119 = arith.constant 8192 : i32
    %broadcast_in_dim3A_120 = vector.broadcast %jit3A_119 : i32 to vector<512x1xi32>
    %select_n3A_121 = arith.select %lt3A_111, %add3A_118, %broadcast_in_dim3A_120 : vector<512x1xi1>, vector<512x1xi32>
    %swap3A_122 = arith.constant 0 : index
    %swap3A_123 = arith.constant 0 : index
    %swap3A_124 = vector.load %arg12[%swap3A_122, %swap3A_123] : memref<512x1xi32, #tpu.memory_space<vmem>>, vector<512x1xi32>
    tpu.vector_store %arg12[%swap3A_122, %swap3A_123], %select_n3A_121 {strides = array<i32>} : memref<512x1xi32, #tpu.memory_space<vmem>>, vector<512x1xi32>,
    %swap3A_125 = arith.constant 0 : index
    %swap3A_126 = arith.constant 0 : index
    %swap3A_127 = vector.load %arg13[%swap3A_125, %swap3A_126] : memref<512x1xi32, #tpu.memory_space<vmem>>, vector<512x1xi32>
    tpu.vector_store %arg13[%swap3A_125, %swap3A_126], %add3A_118 {strides = array<i32>} : memref<512x1xi32, #tpu.memory_space<vmem>>, vector<512x1xi32>,
    %jit3A_128 = arith.constant 0.000000e+00 : f32
    %broadcast_in_dim3A_129 = vector.broadcast %jit3A_128 : f32 to vector<512x1xf32>
    %select_n3A_130 = arith.select %lt3A_111, %broadcast_in_dim3A_80, %broadcast_in_dim3A_129 : vector<512x1xi1>, vector<512x1xf32>
    %swap3A_131 = arith.constant 0 : index
    %swap3A_132 = arith.constant 0 : index
    %swap3A_133 = vector.load %arg14[%swap3A_131, %swap3A_132] : memref<512x1xf32, #tpu.memory_space<vmem>>, vector<512x1xf32>
    tpu.vector_store %arg14[%swap3A_131, %swap3A_132], %select_n3A_130 {strides = array<i32>} : memref<512x1xf32, #tpu.memory_space<vmem>>, vector<512x1xf32>,
    %reduce_sum3A_134 = arith.constant dense<0.000000e+00> : vector<64xf32>
    %reduce_sum3A_135 = vector.multi_reduction <add>, %convert_element_type3A_89, %reduce_sum3A_134 [0] : vector<512x64xf32> to vector<64xf32>
    %broadcast_in_dim3A_136 = vector.shape_cast %reduce_sum3A_135 : vector<64xf32> to vector<1x64xf32>
    %get3A_137 = arith.constant 0 : index
    %get3A_138 = arith.constant 0 : index
    %get3A_139 = vector.load %arg16[%get3A_137, %get3A_138] : memref<1x64xf32, #tpu.memory_space<vmem>>, vector<1x64xf32>
    %add3A_140 = arith.addf %get3A_139, %broadcast_in_dim3A_136 : vector<1x64xf32>
    %get3A_141 = arith.constant 0 : index
    %get3A_142 = arith.constant 0 : index
    %get3A_143 = vector.load %arg17[%get3A_141, %get3A_142] : memref<1x64xf32, #tpu.memory_space<vmem>>, vector<1x64xf32>
    %reduce_sum3A_144 = arith.constant dense<0.000000e+00> : vector<64xf32>
    %reduce_sum3A_145 = vector.multi_reduction <add>, %div3A_77, %reduce_sum3A_144 [0] : vector<512x64xf32> to vector<64xf32>
    %broadcast_in_dim3A_146 = vector.shape_cast %reduce_sum3A_145 : vector<64xf32> to vector<1x64xf32>
    %add3A_147 = arith.addf %get3A_143, %broadcast_in_dim3A_146 : vector<1x64xf32>
    %swap3A_148 = arith.constant 0 : index
    %swap3A_149 = arith.constant 0 : index
    %swap3A_150 = vector.load %arg16[%swap3A_148, %swap3A_149] : memref<1x64xf32, #tpu.memory_space<vmem>>, vector<1x64xf32>
    tpu.vector_store %arg16[%swap3A_148, %swap3A_149], %add3A_140 {strides = array<i32>} : memref<1x64xf32, #tpu.memory_space<vmem>>, vector<1x64xf32>,
    %swap3A_151 = arith.constant 0 : index
    %swap3A_152 = arith.constant 0 : index
    %swap3A_153 = vector.load %arg17[%swap3A_151, %swap3A_152] : memref<1x64xf32, #tpu.memory_space<vmem>>, vector<1x64xf32>
    tpu.vector_store %arg17[%swap3A_151, %swap3A_152], %add3A_147 {strides = array<i32>} : memref<1x64xf32, #tpu.memory_space<vmem>>, vector<1x64xf32>,
    %eq3A_154 = arith.constant 7 : i32
    %eq3A_155 = arith.cmpi eq, %arg0, %eq3A_154 : i32
    %convert_element_type3A_156 = arith.extui %eq3A_155 : i1 to i32
    %cond3A_157 = arith.constant 0 : i32
    %cond3A_158 = arith.cmpi ne, %convert_element_type3A_156, %cond3A_157 : i32
    scf.if %cond3A_158 {
      %div3A_159 = arith.constant 4.096000e+03 : f32
      %div3A_160 = vector.broadcast %div3A_159 : f32 to vector<1x64xf32>
      %div3A_161 = arith.divf %add3A_140, %div3A_160 : vector<1x64xf32>
      %div3A_162 = arith.constant 4.096000e+03 : f32
      %div3A_163 = vector.broadcast %div3A_162 : f32 to vector<1x64xf32>
      %div3A_164 = arith.divf %add3A_147, %div3A_163 : vector<1x64xf32>
      %mul3A_165 = arith.mulf %div3A_161, %div3A_164 : vector<1x64xf32>
      %reduce_sum3A_166 = arith.constant dense<0.000000e+00> : vector<1xf32>
      %reduce_sum3A_167 = vector.multi_reduction <add>, %mul3A_165, %reduce_sum3A_166 [1] : vector<1x64xf32> to vector<1xf32>
      %broadcast_in_dim3A_168 = vector.shape_cast %reduce_sum3A_167 : vector<1xf32> to vector<1x1xf32>
      %mul3A_169 = arith.constant 6.400000e+01 : f32
      %mul3A_170 = vector.broadcast %mul3A_169 : f32 to vector<1x1xf32>
      %mul3A_171 = arith.mulf %mul3A_170, %broadcast_in_dim3A_168 : vector<1x1xf32>
      %swap3A_172 = arith.constant 0 : index
      %swap3A_173 = arith.constant 0 : index
      %swap3A_174 = vector.load %arg15[%swap3A_172, %swap3A_173] : memref<1x1xf32, #tpu.memory_space<vmem>>, vector<1x1xf32>
      tpu.vector_store %arg15[%swap3A_172, %swap3A_173], %mul3A_171 {strides = array<i32>} : memref<1x1xf32, #tpu.memory_space<vmem>>, vector<1x1xf32>,
    } else {
    }
    return
  }
  func.func @transform_0(%arg0: i32) -> (i32, i32) {
    %c0_i32 = arith.constant 0 : i32
    %c0_i32_0 = arith.constant 0 : i32
    return %arg0, %c0_i32 : i32, i32
  }
  func.func @transform_1(%arg0: i32) -> (i32, i32, i32) {
    %c0_i32 = arith.constant 0 : i32
    %c0_i32_0 = arith.constant 0 : i32
    %c0_i32_1 = arith.constant 0 : i32
    return %c0_i32, %arg0, %c0_i32_0 : i32, i32, i32
  }
  func.func @transform_2(%arg0: i32) -> (i32, i32) {
    %c0_i32 = arith.constant 0 : i32
    %c0_i32_0 = arith.constant 0 : i32
    %c0_i32_1 = arith.constant 0 : i32
    return %c0_i32, %c0_i32_0 : i32, i32
  }
  func.func @transform_3(%arg0: i32) -> (i32, i32) {
    %c0_i32 = arith.constant 0 : i32
    %c0_i32_0 = arith.constant 0 : i32
    %c0_i32_1 = arith.constant 0 : i32
    return %c0_i32, %c0_i32_0 : i32, i32
  }
  func.func @transform_4(%arg0: i32) -> (i32, i32) {
    %c0_i32 = arith.constant 0 : i32
    %c0_i32_0 = arith.constant 0 : i32
    %c0_i32_1 = arith.constant 0 : i32
    return %c0_i32, %c0_i32_0 : i32, i32
  }
  func.func @transform_5(%arg0: i32) -> (i32, i32) {
    %c0_i32 = arith.constant 0 : i32
    %c0_i32_0 = arith.constant 0 : i32
    %c0_i32_1 = arith.constant 0 : i32
    return %c0_i32, %c0_i32_0 : i32, i32
  }
  func.func @transform_6(%arg0: i32) -> (i32, i32) {
    %c0_i32 = arith.constant 0 : i32
    %c0_i32_0 = arith.constant 0 : i32
    %c0_i32_1 = arith.constant 0 : i32
    return %c0_i32, %c0_i32_0 : i32, i32
  }
  func.func @transform_7(%arg0: i32) -> (i32, i32) {
    %c0_i32 = arith.constant 0 : i32
    %c0_i32_0 = arith.constant 0 : i32
    %c0_i32_1 = arith.constant 0 : i32
    return %c0_i32, %c0_i32_0 : i32, i32
  }
  func.func @transform_8(%arg0: i32) -> (i32, i32) {
    %c0_i32 = arith.constant 0 : i32
    %c0_i32_0 = arith.constant 0 : i32
    %c0_i32_1 = arith.constant 0 : i32
    return %c0_i32, %c0_i32_0 : i32, i32
  }
  func.func @transform_9(%arg0: i32) -> (i32, i32) {
    %c0_i32 = arith.constant 0 : i32
    %c0_i32_0 = arith.constant 0 : i32
    return %arg0, %c0_i32 : i32, i32
  }
  func.func @transform_10(%arg0: i32) -> (i32, i32) {
    %c0_i32 = arith.constant 0 : i32
    %c0_i32_0 = arith.constant 0 : i32
    return %arg0, %c0_i32 : i32, i32
  }
  func.func @transform_11(%arg0: i32) -> (i32, i32) {
    %c0_i32 = arith.constant 0 : i32
    %c0_i32_0 = arith.constant 0 : i32
    return %arg0, %c0_i32 : i32, i32
  }
  func.func @transform_12(%arg0: i32) -> (i32, i32) {
    %c0_i32 = arith.constant 0 : i32
    %c0_i32_0 = arith.constant 0 : i32
    return %arg0, %c0_i32 : i32, i32
  }
  func.func @transform_13(%arg0: i32) -> (i32, i32) {
    %c0_i32 = arith.constant 0 : i32
    %c0_i32_0 = arith.constant 0 : i32
    return %arg0, %c0_i32 : i32, i32
  }
  func.func @transform_14(%arg0: i32) -> (i32, i32) {
    %c0_i32 = arith.constant 0 : i32
    %c0_i32_0 = arith.constant 0 : i32
    %c0_i32_1 = arith.constant 0 : i32
    return %c0_i32, %c0_i32_0 : i32, i32
  }
}

module attributes {stable_mosaic.version = 14 : i64} {
  func.func @_stage_f(%arg0: i32, %arg1: memref<512x1024xf32, #tpu.memory_space<vmem>>, %arg2: memref<512x1xf32, #tpu.memory_space<vmem>>, %arg3: memref<512x1024xf32, #tpu.memory_space<vmem>>, %arg4: memref<512x1024xf32, #tpu.memory_space<vmem>>) attributes {dimension_semantics = [#tpu.dimension_semantics<arbitrary>], iteration_bounds = array<i64: 8>, scalar_prefetch = 0 : i64, scratch_operands = 0 : i64, tpu.core_type = #tpu.core_type<tc>, window_params = [{transform_indices = @transform_0, window_bounds = array<i64: 512, 1024>}, {transform_indices = @transform_1, window_bounds = array<i64: 512, 1>}, {transform_indices = @transform_2, window_bounds = array<i64: 512, 1024>}, {transform_indices = @transform_3, window_bounds = array<i64: 512, 1024>}]} {
    %get3A = arith.constant 0 : index
    %get3A_0 = arith.constant 0 : index
    %get3A_1 = vector.load %arg1[%get3A, %get3A_0] : memref<512x1024xf32, #tpu.memory_space<vmem>>, vector<512x1024xf32>
    %get3A_2 = arith.constant 0 : index
    %get3A_3 = arith.constant 0 : index
    %get3A_4 = vector.load %arg2[%get3A_2, %get3A_3] : memref<512x1xf32, #tpu.memory_space<vmem>>, vector<512x1xf32>
    %mul3A = vector.broadcast %get3A_4 : vector<512x1xf32> to vector<512x1024xf32>
    %mul3A_5 = arith.mulf %get3A_1, %mul3A : vector<512x1024xf32>
    %get3A_6 = arith.constant 0 : index
    %get3A_7 = arith.constant 0 : index
    %get3A_8 = vector.load %arg3[%get3A_6, %get3A_7] : memref<512x1024xf32, #tpu.memory_space<vmem>>, vector<512x1024xf32>
    %add3A = arith.addf %mul3A_5, %get3A_8 : vector<512x1024xf32>
    %swap3A = arith.constant 0 : index
    %swap3A_9 = arith.constant 0 : index
    %swap3A_10 = vector.load %arg4[%swap3A, %swap3A_9] : memref<512x1024xf32, #tpu.memory_space<vmem>>, vector<512x1024xf32>
    tpu.vector_store %arg4[%swap3A, %swap3A_9], %add3A {strides = array<i32>} : memref<512x1024xf32, #tpu.memory_space<vmem>>, vector<512x1024xf32>,
    return
  }
  func.func @transform_0(%arg0: i32) -> (i32, i32) {
    %c0_i32 = arith.constant 0 : i32
    %c0_i32_0 = arith.constant 0 : i32
    return %arg0, %c0_i32 : i32, i32
  }
  func.func @transform_1(%arg0: i32) -> (i32, i32) {
    %c0_i32 = arith.constant 0 : i32
    %c0_i32_0 = arith.constant 0 : i32
    return %arg0, %c0_i32 : i32, i32
  }
  func.func @transform_2(%arg0: i32) -> (i32, i32) {
    %c0_i32 = arith.constant 0 : i32
    %c0_i32_0 = arith.constant 0 : i32
    return %arg0, %c0_i32 : i32, i32
  }
  func.func @transform_3(%arg0: i32) -> (i32, i32) {
    %c0_i32 = arith.constant 0 : i32
    %c0_i32_0 = arith.constant 0 : i32
    return %arg0, %c0_i32 : i32, i32
  }
}

module attributes {stable_mosaic.version = 14 : i64} {
  func.func @_stage_d(%arg0: i32, %arg1: memref<128x1024xf32, #tpu.memory_space<vmem>>, %arg2: memref<1x1024x512xf32, #tpu.memory_space<vmem>>, %arg3: memref<1x1x512xf32, #tpu.memory_space<vmem>>, %arg4: memref<1x512x1024xf32, #tpu.memory_space<vmem>>, %arg5: memref<1x1x1024xf32, #tpu.memory_space<vmem>>, %arg6: memref<128x1024xf32, #tpu.memory_space<vmem>>) attributes {dimension_semantics = [#tpu.dimension_semantics<arbitrary>], iteration_bounds = array<i64: 64>, scalar_prefetch = 0 : i64, scratch_operands = 0 : i64, tpu.core_type = #tpu.core_type<tc>, window_params = [{transform_indices = @transform_0, window_bounds = array<i64: 128, 1024>}, {transform_indices = @transform_1, window_bounds = array<i64: 1, 1024, 512>}, {transform_indices = @transform_2, window_bounds = array<i64: 1, 1, 512>}, {transform_indices = @transform_3, window_bounds = array<i64: 1, 512, 1024>}, {transform_indices = @transform_4, window_bounds = array<i64: 1, 1, 1024>}, {transform_indices = @transform_5, window_bounds = array<i64: 128, 1024>}]} {
    %get3A = arith.constant 0 : index
    %get3A_0 = arith.constant 0 : index
    %get3A_1 = vector.load %arg1[%get3A, %get3A_0] : memref<128x1024xf32, #tpu.memory_space<vmem>>, vector<128x1024xf32>
    %get3A_2 = arith.constant 0 : index
    %get3A_3 = arith.constant 0 : index
    %get3A_4 = arith.constant 0 : index
    %get3A_5 = vector.load %arg2[%get3A_2, %get3A_3, %get3A_4] : memref<1x1024x512xf32, #tpu.memory_space<vmem>>, vector<1x1024x512xf32>
    %reshape3A = vector.shape_cast %get3A_5 : vector<1x1024x512xf32> to vector<1024x512xf32>
    %get3A_6 = arith.constant 0 : index
    %get3A_7 = arith.constant 0 : index
    %get3A_8 = arith.constant 0 : index
    %get3A_9 = vector.load %arg4[%get3A_6, %get3A_7, %get3A_8] : memref<1x512x1024xf32, #tpu.memory_space<vmem>>, vector<1x512x1024xf32>
    %reshape3A_10 = vector.shape_cast %get3A_9 : vector<1x512x1024xf32> to vector<512x1024xf32>
    %dot_general3A = arith.constant dense<0.000000e+00> : vector<128x512xf32>
    %dot_general3A_11 = tpu.matmul %get3A_1, %reshape3A, %dot_general3A {dimension_numbers = #tpu.dot_dimension_numbers<[1], [0], [0], [1], [0, 0, 1, 1], [], []>, transpose_lhs_hint = false} : vector<128x1024xf32>, vector<1024x512xf32>, vector<128x512xf32> -> vector<128x512xf32>
    %get3A_12 = arith.constant 0 : index
    %get3A_13 = arith.constant 0 : index
    %get3A_14 = arith.constant 0 : index
    %get3A_15 = vector.load %arg3[%get3A_12, %get3A_13, %get3A_14] : memref<1x1x512xf32, #tpu.memory_space<vmem>>, vector<1x1x512xf32>
    %reshape3A_16 = vector.shape_cast %get3A_15 : vector<1x1x512xf32> to vector<1x512xf32>
    %add3A = vector.broadcast %reshape3A_16 : vector<1x512xf32> to vector<128x512xf32>
    %add3A_17 = arith.addf %dot_general3A_11, %add3A : vector<128x512xf32>
    %max3A = arith.constant 0.000000e+00 : f32
    %max3A_18 = vector.broadcast %max3A : f32 to vector<128x512xf32>
    %max3A_19 = arith.maximumf %add3A_17, %max3A_18 : vector<128x512xf32>
    %dot_general3A_20 = arith.constant dense<0.000000e+00> : vector<128x1024xf32>
    %dot_general3A_21 = tpu.matmul %max3A_19, %reshape3A_10, %dot_general3A_20 {dimension_numbers = #tpu.dot_dimension_numbers<[1], [0], [0], [1], [0, 0, 1, 1], [], []>, transpose_lhs_hint = false} : vector<128x512xf32>, vector<512x1024xf32>, vector<128x1024xf32> -> vector<128x1024xf32>
    %get3A_22 = arith.constant 0 : index
    %get3A_23 = arith.constant 0 : index
    %get3A_24 = arith.constant 0 : index
    %get3A_25 = vector.load %arg5[%get3A_22, %get3A_23, %get3A_24] : memref<1x1x1024xf32, #tpu.memory_space<vmem>>, vector<1x1x1024xf32>
    %reshape3A_26 = vector.shape_cast %get3A_25 : vector<1x1x1024xf32> to vector<1x1024xf32>
    %add3A_27 = vector.broadcast %reshape3A_26 : vector<1x1024xf32> to vector<128x1024xf32>
    %add3A_28 = arith.addf %dot_general3A_21, %add3A_27 : vector<128x1024xf32>
    %swap3A = arith.constant 0 : index
    %swap3A_29 = arith.constant 0 : index
    %swap3A_30 = vector.load %arg6[%swap3A, %swap3A_29] : memref<128x1024xf32, #tpu.memory_space<vmem>>, vector<128x1024xf32>
    tpu.vector_store %arg6[%swap3A, %swap3A_29], %add3A_28 {strides = array<i32>} : memref<128x1024xf32, #tpu.memory_space<vmem>>, vector<128x1024xf32>,
    return
  }
  func.func @transform_0(%arg0: i32) -> (i32, i32) {
    %c0_i32 = arith.constant 0 : i32
    %c0_i32_0 = arith.constant 0 : i32
    return %arg0, %c0_i32 : i32, i32
  }
  func.func @transform_1(%arg0: i32) -> (i32, i32, i32) {
    %c0_i32 = arith.constant 0 : i32
    %c0_i32_0 = arith.constant 0 : i32
    %c0_i32_1 = arith.constant 0 : i32
    return %arg0, %c0_i32, %c0_i32_0 : i32, i32, i32
  }
  func.func @transform_2(%arg0: i32) -> (i32, i32, i32) {
    %c0_i32 = arith.constant 0 : i32
    %c0_i32_0 = arith.constant 0 : i32
    %c0_i32_1 = arith.constant 0 : i32
    return %arg0, %c0_i32, %c0_i32_0 : i32, i32, i32
  }
  func.func @transform_3(%arg0: i32) -> (i32, i32, i32) {
    %c0_i32 = arith.constant 0 : i32
    %c0_i32_0 = arith.constant 0 : i32
    %c0_i32_1 = arith.constant 0 : i32
    return %arg0, %c0_i32, %c0_i32_0 : i32, i32, i32
  }
  func.func @transform_4(%arg0: i32) -> (i32, i32, i32) {
    %c0_i32 = arith.constant 0 : i32
    %c0_i32_0 = arith.constant 0 : i32
    %c0_i32_1 = arith.constant 0 : i32
    return %arg0, %c0_i32, %c0_i32_0 : i32, i32, i32
  }
  func.func @transform_5(%arg0: i32) -> (i32, i32) {
    %c0_i32 = arith.constant 0 : i32
    %c0_i32_0 = arith.constant 0 : i32
    return %arg0, %c0_i32 : i32, i32
  }
}

</mosaic_0001>

<sc_bundles>
// kernel: kernel.10.cloned.1.call-start
scs
__scs_entry_jumppad:
0x0: {  	(pc) =	sbr.rel $0x88, $3  }
0x1: {  	(tag) =	ssettag $0x0;
	lr =	simm.s32 $0x1  }
0x2: {  	[smem:$0x3F94] =	sst lr;
	_ =	strace $0xD0000000  }
0x3: {  	_ = 	snop  }
0x4: {  	_ = 	snop  }
0x5: {  	_ = 	snop  }
0x6: {  	_ = 	snop  }
0x7: {  	_ = 	snop  }
__scs_overlays_trampoline_lowered:
0x8: {  	[smem:$0x3FA3] =	sst s0  }
0x9: {  	[smem:$0x3FA4] =	sst s1  }
0xa: {  	[smem:$0x3FA5] =	sst s2  }
0xb: {  	[smem:$0x3FA6] =	sst s3  }
0xc: {  	[smem:$0x3FA7] =	sst s4  }
0xd: {  	[smem:$0x3FA8] =	sst s5  }
0xe: {  	[smem:$0x3FA9] =	sst s6  }
0xf: {  	[smem:$0x3FAA] =	sst s7  }
0x10: {  	[smem:$0x3FAB] =	sst s8  }
0x11: {  	[smem:$0x3FAC] =	sst s9;
	s0 =	simm.s32 @!p0 $0x0  }
0x12: {  	s1 =	sld [smem:$0x3F92];
	s0 =	simm.s32 @p0 $0x1  }
0x13: {  	[smem:$0x3FAD] =	sst s0;
	s0 =	simm.s32 @!p1 $0x0  }
0x14: {  	s2 =	sld [smem:$0x3F91];
	s0 =	simm.s32 @p1 $0x1  }
0x15: {  	[smem:$0x3FAE] =	sst s0;
	s0 =	simm.s32 @!p2 $0x0  }
0x16: {  	s3 =	sld [smem:$0x3FDB];
	s0 =	simm.s32 @p2 $0x1  }
0x17: {  	s4 =	simm.s32 $0x1BF5;
	[smem:$0x3FB0] =	sst s0  }
0x18: {  	s0 =	sld [smem:$0x3F93];
	_ =	swait.ge [sflag:s4], $0x0  }
0x19: {  	s7 =	sld [smem:$0x3F94]  }
0x1a: {  	s8 =	sadd.s32 $0xFFFFE003, lr  }
0x1b: {  	s9 =	sadd.s32 $0xFFFFFEF7, lr;
	s5 =	simm.s32 $0xFFFFFFFF;
	p2 =	slt.u32 s8, $0xFFFFF086  }
0x1c: {  	p1 =	slt.u32 s9, $0xF7A;
	s5 =	simm.s32 @!p2 $0x0  }
0x1d: {  	s5 =	simm.s32 @p1 $0x1;
	p0 =	seq.s32 s7, s2  }
0x1e: {  	s7 =	smul.u32 @!p0 $0xF7A, s2;
	p2 =	seq.s32 @!p0 s5, $0x0  }
0x1f: {  	s9 =	smul.u32 $0xF7A, s1;
	s8 =	simm.s32 @!p0 $0x1BF5;
	p2 =	por !p2, p0  }
0x20: {  	[sflag:s8] =	ssyncset.s32 @!p0 $0xFFFFF086;
	s6 =	sadd.s32 @!p0 s3, s7;
	s7 =	simm.s32 @!p0 $0x108  }
0x21: {  	s3 =	sadd.s32 s3, s9;
	s6 =	sadd.s32 @!p0 $0x88, s6;
	s7 =	simm.s32 @p2 $0x1082  }
0x22: {  	[simem:s7], [sflag:s8] =	dma.local @!p0 [hbm:s6], $0xF7A  }
0x23: {  	s9 =	sor.u32 $0xD0000000, s2;
	s6 =	simm.s32 $0x108;
	_ =	swait.ge @!p0 [sflag:s8], $0x0  }
0x24: {  	s3 =	sadd.s32 $0x88, s3;
	s6 =	simm.s32 @!p1 $0x1082;
	[sflag:s4] =	ssyncset.s32 $0xFFFFF086  }
0x25: {  	[simem:s6], [sflag:s4] =	dma.local [hbm:s3], $0xF7A  }
0x26: {  	[smem:$0x3F94] =	sst s1;
	(tag) =	ssettag s2;
	_ =	strace s9  }
0x27: {  	s1 =	sld [smem:$0x3FA4]  }
0x28: {  	s2 =	sld [smem:$0x3FA5]  }
0x29: {  	s4 =	sld [smem:$0x3FA7]  }
0x2a: {  	p0 =	seq.s32 s5, $0x0;
	s5 =	sld [smem:$0x3FA8]  }
0x2b: {  	s6 =	sld [smem:$0x3FA9]  }
0x2c: {  	s7 =	sld [smem:$0x3FAA]  }
0x2d: {  	s3 =	simm.s32 $0x108;
	s8 =	sld [smem:$0x3FAB]  }
0x2e: {  	s3 =	simm.s32 @!p0 $0x1082;
	s9 =	sld [smem:$0x3FAC]  }
0x2f: {  	lr =	sadd.s32 s0, s3;
	s0 =	sld [smem:$0x3FA3]  }
0x30: {  	s3 =	sld [smem:$0x3FA6]  }
0x31: {  	[smem:$0x3FAF] =	sst s10  }
0x32: {  	s10 =	sld [smem:$0x3FAD];
	_ =	sdelay $0x3  }
0x33: {  	p0 =	seq.s32 s10, $0x1;
	s10 =	sld [smem:$0x3FAF];
	_ =	sdelay $0x3  }
0x34: {  	[smem:$0x3FAF] =	sst s10  }
0x35: {  	s10 =	sld [smem:$0x3FAE];
	_ =	sdelay $0x3  }
0x36: {  	p1 =	seq.s32 s10, $0x1;
	s10 =	sld [smem:$0x3FAF];
	_ =	sdelay $0x3  }
0x37: {  	[smem:$0x3FAF] =	sst s10  }
0x38: {  	s10 =	sld [smem:$0x3FB0]  }
0x39: {  	_ = 	snop;
	(pc) =	sbr.ind lr, $3  }
0x3a: {  	_ = 	snop  }
0x3b: {  	_ = 	snop  }
0x3c: {  	p2 =	seq.s32 s10, $0x1;
	s10 =	sld [smem:$0x3FAF]  }
0x3d: {  	_ =	shalt  }
0x3e: {  	_ =	shalt  }
0x3f: {  	_ =	shalt  }
0x40: {  	_ =	shalt  }
0x41: {  	_ =	shalt  }
0x42: {  	_ =	shalt  }
0x43: {  	_ =	shalt  }
0x44: {  	_ =	shalt  }
0x45: {  	_ =	shalt  }
0x46: {  	_ =	shalt  }
0x47: {  	_ =	shalt  }
0x48: {  	_ =	shalt  }
0x49: {  	_ =	shalt  }
0x4a: {  	_ =	shalt  }
0x4b: {  	_ =	shalt  }
0x4c: {  	_ =	shalt  }
0x4d: {  	_ =	shalt  }
0x4e: {  	_ =	shalt  }
0x4f: {  	_ =	shalt  }
0x50: {  	_ =	shalt  }
0x51: {  	_ =	shalt  }
0x52: {  	_ =	shalt  }
0x53: {  	_ =	shalt  }
0x54: {  	_ =	shalt  }
0x55: {  	_ =	shalt  }
0x56: {  	_ =	shalt  }
0x57: {  	_ =	shalt  }
0x58: {  	_ =	shalt  }
0x59: {  	_ =	shalt  }
0x5a: {  	_ =	shalt  }
0x5b: {  	_ =	shalt  }
0x5c: {  	_ =	shalt  }
0x5d: {  	_ =	shalt  }
0x5e: {  	_ =	shalt  }
0x5f: {  	_ =	shalt  }
0x60: {  	_ =	shalt  }
0x61: {  	_ =	shalt  }
0x62: {  	_ =	shalt  }
0x63: {  	_ =	shalt  }
0x64: {  	_ =	shalt  }
0x65: {  	_ =	shalt  }
0x66: {  	_ =	shalt  }
0x67: {  	_ =	shalt  }
0x68: {  	_ =	shalt  }
0x69: {  	_ =	shalt  }
0x6a: {  	_ =	shalt  }
0x6b: {  	_ =	shalt  }
0x6c: {  	_ =	shalt  }
0x6d: {  	_ =	shalt  }
0x6e: {  	_ =	shalt  }
0x6f: {  	_ =	shalt  }
0x70: {  	_ =	shalt  }
0x71: {  	_ =	shalt  }
0x72: {  	_ =	shalt  }
0x73: {  	_ =	shalt  }
0x74: {  	_ =	shalt  }
0x75: {  	_ =	shalt  }
0x76: {  	_ =	shalt  }
0x77: {  	_ =	shalt  }
0x78: {  	_ =	shalt  }
0x79: {  	_ =	shalt  }
0x7a: {  	_ =	shalt  }
0x7b: {  	_ =	shalt  }
0x7c: {  	_ =	shalt  }
0x7d: {  	_ =	shalt  }
0x7e: {  	_ =	shalt  }
0x7f: {  	_ =	shalt  }
0x80: {  	_ =	shalt  }
0x81: {  	_ =	shalt  }
0x82: {  	_ =	shalt  }
0x83: {  	_ =	shalt  }
0x84: {  	_ =	shalt  }
0x85: {  	_ =	shalt  }
0x86: {  	_ =	shalt  }
0x87: {  	_ =	shalt  }
.Lfunc_end0:
.L_simem_size_0:
called_computation.1_lowered:
.L_overlay_start_0:
0x88: {  	s2 =	sld [smem:$0x3FD9]  }
0x89: {  	s3 =	sld [smem:$0x3FFE];
	_ =	sdelay $0x1  }
0x8a: {  	s1 =	srdreg.scid  }
0x8b: {  	s0 =	sand.u32 $0x1, s1  }
0x8c: {  	s14 =	sshll.u32 s0, $0xA;
	s2 =	sadd.s32 s3, s2  }
0x8d: {  	s2 =	sadd.s32 s2, s14  }
0x8e: {  	[smem:$0x3FBB] =	sst s2  }
0x8f: {  	_ = 	snop  }
0x90: {  	s2 =	sld [smem:$0x3FD0];
	_ =	sdelay $0x2  }
0x91: {  	s15 =	simm.s32 $0xA;
	s4 =	simm.s32 $0x10  }
0x92: {  	[smem:s4], [sflag:s15] =	dma.local [hbm:s2], $0x1  }
0x93: {  	_ =	swait.eq [sflag:s15], $0x1  }
0x94: {  	[sflag:s15] =	ssyncset.done $0x0  }
0x95: {  	[sflag:s15] =	ssyncadd.s32 $0xFFFFFFFF  }
0x96: {  	s16 =	sld [smem:$0x10];
	(tm) =	ssettm $0x1  }
0x97: {  	s17 =	sld [smem:$0x3FFB];
	_ =	sdelay $0x3  }
0x98: {  	_ =	strace s17  }
0x99: {  	s3 =	sld [smem:$0x3FFC];
	_ =	sdelay $0x3  }
0x9a: {  	_ =	strace s3  }
0x9b: {  	s3 =	sld [smem:$0x3FFD];
	_ =	sdelay $0x3  }
0x9c: {  	_ =	strace s3  }
0x9d: {  	_ =	strace $0x8FFFFFFF  }
0x9e: {  	s18 =	sld [smem:$0x3FDB];
	_ =	sdelay $0x1  }
0x9f: {  	s19 =	simm.s32 $_scs_section_size  }
0xa0: {  	s5 =	simm.s32 $_size__tile_overlayer_lowered;
	s6 =	simm.s32 $_tile_overlayer_lowered  }
0xa1: {  	s22 =	simm.s32 $0x1BFF;
	s21 =	sshll.u32 s6, $0x1;
	s3 =	sadd.s32 s19, s18  }
0xa2: {  	s7 =	simm.s32 $0x0;
	s20 =	sshll.u32 s5, $0x1;
	s5 =	sadd.s32 s21, s3  }
0xa3: {  	[timem:s7], [sflag:s22] =	dma.local [hbm:s5], s20  }
0xa4: {  	_ =	swait.ge [sflag:s22], s20  }
0xa5: {  	s4 =	ssub.s32 $0x0, s20;
	[sflag:s22] =	ssyncset.done $0x0  }
0xa6: {  	[sflag:s22] =	ssyncadd.s32 s4;
	_ =	sdelay $0x1  }
0xa7: {  	s23 =	simm.s32 $0x1B8B  }
0xa8: {  	_ =	swait.ge [sflag:s23], $0x1  }
0xa9: {  	[sflag:s23] =	ssyncset.done $0x0  }
0xaa: {  	s25 =	simm.s32 $0x1B8E;
	s24 =	sld [smem:$0x3FFE];
	[sflag:s23] =	ssyncadd.s32 $0xFFFFFFFF  }
0xab: {  	s26 =	simm.s32 $execute0_lowered;
	[smem:$0x3FD2] =	sst s25  }
0xac: {  	s5 =	sshll.u32 s26, $0x1;
	_ =	strace $0x80000049;
	[dreg:$0x1] =	wrdreg $0xFFFFFFFF  }
0xad: {  	s28 =	simm.s32 $_size_execute0_lowered;
	s3 =	sadd.s32 s3, s5;
	[dreg:$0x0] =	wrdreg $0x0  }
0xae: {  	s5 =	sshll.u32 s28, $0x1;
	[dreg:$0x2] =	wrdreg s3  }
0xaf: {  	[dreg:$0x3] =	wrdreg s5  }
0xb0: {  	[dreg:$0x4] =	wrdreg $0xC0  }
0xb1: {  	_ =	task [dreg:s7], $0x5FFFF  }
0xb2: {  	[dreg:$0x1] =	wrdreg $0xFFFFFFFF  }
0xb3: {  	[dreg:$0x0] =	wrdreg $0x60  }
0xb4: {  	[dreg:$0x2] =	wrdreg s24  }
0xb5: {  	[dreg:$0x3] =	wrdreg s16  }
0xb6: {  	[dreg:$0x4] =	wrdreg $0x9  }
0xb7: {  	_ =	task.clear_ibuf [dreg:s7], $0x5FFFF;
	_ =	strace $0x90000049  }
0xb8: {  	s29 =	simm.s32 $0x9;
	_ =	strace $0x8000004B  }
0xb9: {  	_ =	swait.ge [sflag:s29], $0x1  }
0xba: {  	[sflag:s29] =	ssyncadd.s32 $0xFFFFFFFF  }
0xbb: {  	_ =	strace $0x9000004B  }
0xbc: {  	_ =	sfence  }
0xbd: {  	s30 =	sld [smem:$0x0];
	_ =	sdelay $0x2  }
0xbe: {  	s31 =	sshll.u32 s1, $0xD;
	s1 =	sshrl.u32 s1, $0x2  }
0xbf: {  	s3 =	sand.u32 $0x4000, s31;
	s1 =	sadd.s32 s1, s30  }
0xc0: {  	s0 =	sor.u32 s3, s0;
	s1 =	sshll.u32 s1, $0x11  }
0xc1: {  	s0 =	sor.u32 s1, s0  }
0xc2: {  	s0 =	sadd.s32 $0x8F2B, s0  }
0xc3: {  	[sflag:s0] =	ssyncadd.remote.s32 $0x1  }
0xc4: {  	_ =	sfence.sel $0xFFFF  }
0xc5: {  	[dreg:$0x0] =	wrdreg $0xFFFFFFFF;
	(pc) =	sbr.abs _section_cstart, $3  }
0xc6: {  	[dreg:$0x1] =	wrdreg $0xFFFFFFFF  }
0xc7: {  	_ =	task.clear_ibuf [dreg:s7], $0x2FFFF;
	_ =	strace $0x9FFFFFFF  }
0xc8: {  	(tm) =	ssettm $0x7FFFFFFF  }
0xc9: {  	_ =	shalt  }
tec
execute0_lowered:
.L_overlay_start_1:
0x0: {  	(tag) =	ssettag $0x1  }
0x1: {  	s0 =	rddreg [dreg:$0x0]  }
0x2: {  	s1 =	rddreg [dreg:$0x1]  }
0x3: {  	s2 =	simm.s32 $0x0;
	s4 =	srdreg.scid;
	s9 =	stileid.u32  }
0x4: {  	s18 =	simm.s32 $0x1;
	s28 =	simm.s32 $0x4080;
	s29 =	simm.s32 $0x4880  }
0x5: {  	s30 =	simm.s32 $0x5080;
	s31 =	simm.s32 $0x5880;
	s12 =	simm.s32 $0x8080  }
0x6: {  	s13 =	simm.s32 $0x8880;
	s14 =	simm.s32 $0x9080;
	s15 =	simm.s32 $0x9880  }
0x7: {  	s16 =	simm.s32 $0xA080;
	s17 =	simm.s32 $0xA880;
	[smem:$0x7FF] =	sst s2  }
0x8: {  	s3 =	sadd.s32 $0x215C00, s0;
	s4 =	sand.u32 $0x1, s4;
	s5 =	sshll.u32 s9, $0x1  }
0x9: {  	s6 =	sadd.s32 $0x215800, s0;
	s21 =	sshll.u32 s9, $0x6;
	_ =	strace $0x8000004A  }
0xa: {  	s7 =	ssub.s32 $0x2, s4;
	s8 =	sor.u32 s4, s5;
	s4 =	sadd.s32 $0x215D00, s0  }
0xb: {  	s10 =	sand.u32 $0x380, s21;
	s5 =	sadd.s32 $0x215E00, s0;
	s21 =	simm.s32 $0x1080  }
0xc: {  	s20 =	sshrl.u32 s7, $0x1;
	s22 =	sshll.u32 s8, $0x5;
	s24 =	sshllo.u32 s8, $0x1  }
0xd: {  	s8 =	sshll.u32 s8, $0xE;
	s7 =	ssub.s32 s7, s20;
	s23 =	sadd.s32 s6, s22  }
0xe: {  	s11 =	sshll.u32 s24, $0x4;
	s8 =	sadd.s32 s1, s8;
	s6 =	sadd.s32 s6, s10  }
0xf: {  	s9 =	sshll.u32 s24, $0xD;
	s20 =	simm.s32 $0x880;
	s22 =	simm.s32 $0x1880  }
0x10: {  	s24 =	simm.s32 $0x2880;
	s10 =	simm.s32 $0x7080;
	[dreg:$0x3] =	wrdreg s23  }
0x11: {  	s11 =	sand.u32 $0x70, s11;
	[dreg:$0x4] =	wrdreg s8;
	s26 =	sadd.s32 s1, s9  }
0x12: {  	s7 =	smax.u32 s7, $0x1;
	s8 =	simm.s32 $0x2;
	s23 =	simm.s32 $0x2080  }
0x13: {  	v2 =	vlaneseq.u32;
	s9 =	simm.s32 $0xB080;
	s25 =	sadd.s32 s11, s6;
	s6 =	sadd.s32 $0x215F00, s0  }
0x14: {  	vm0 =	vmmov $0xffff;
	v1 =	vshrl.u32 v2, $0x3;
	[dreg:$0x6] =	wrdreg s26;
	s0 =	simm.s32 $0x80;
	s26 =	simm.s32 $0x3880  }
0x15: {  	v0 =	vand.u32 $0x7, v2;
	v2 =	vor.u32 $0x8, v2;
	v1 =	vmul.u32 $0x8, v1;
	s11 =	simm.s32 $0x7880;
	[dreg:$0x5] =	wrdreg s25;
	s25 =	simm.s32 $0x3080  }
.LBB2_1:
0x16: {  	s19 =	rddreg [dreg:$0x3]  }
0x17: {  	[tilespmem:s2], [sflag:$0x2] =	stream.linear.gather [hbm4b:s19+s2], $0x80, $0x38;
	[tilespmem:$0x10080] =	vst v63  }
0x18: {  	_ =	swait.ge [sflag:s8], $0x80  }
0x19: {  	[sflag:s8] =	ssyncset.done $0x0  }
0x1a: {  	[sflag:s8] =	ssyncadd.s32 $0xFFFFFF80  }
0x1b: {  	v3 =	vld [tilespmem:$0x0];
	_ =	sdelay $0x4  }
0x1c: {  	v4 =	vshll.u32 v3, $0x3  }
0x1d: {  	v3 =	vand.u32 $0x7, v3;
	v4 =	vand.u32 $0xFFFFFFC0, v4  }
0x1e: {  	v3 =	vor.u32 v3, v4  }
0x1f: {  	v4 =	vperm.xlane v3, v0;
	_ =	sdelay $0x1  }
0x20: {  	v4 =	vadd.s32 v1, v4;
	_ =	sdelay $0x4  }
0x21: {  	[tilespmem:s0], [sflag:$0x1] =	stream.indirect_vreg.gather [hbm4b:s3+s2], $0x80, v4, vm0, $0xb8;
	[tilespmem:$0x10080] =	vst v63  }
0x22: {  	v3 =	vperm.xlane v3, v2  }
0x23: {  	[tilespmem:s20], [sflag:$0x1] =	stream.indirect_vreg.gather [hbm4b:s4+s2], $0x80, v4, vm0, $0xb8;
	[tilespmem:$0x10080] =	vst v63  }
0x24: {  	v3 =	vadd.s32 v1, v3  }
0x25: {  	[tilespmem:s21], [sflag:$0x1] =	stream.indirect_vreg.gather [hbm4b:s5+s2], $0x80, v4, vm0, $0xb8;
	[tilespmem:$0x10080] =	vst v63  }
0x26: {  	_ = 	snop  }
0x27: {  	[tilespmem:s22], [sflag:$0x1] =	stream.indirect_vreg.gather [hbm4b:s6+s2], $0x80, v4, vm0, $0xb8;
	[tilespmem:$0x10080] =	vst v63  }
0x28: {  	_ = 	snop  }
0x29: {  	[tilespmem:s23], [sflag:$0x1] =	stream.indirect_vreg.gather [hbm4b:s3+s2], $0x80, v3, vm0, $0xb8;
	[tilespmem:$0x10080] =	vst v63  }
0x2a: {  	_ = 	snop  }
0x2b: {  	[tilespmem:s24], [sflag:$0x1] =	stream.indirect_vreg.gather [hbm4b:s4+s2], $0x80, v3, vm0, $0xb8;
	[tilespmem:$0x10080] =	vst v63  }
0x2c: {  	_ = 	snop  }
0x2d: {  	[tilespmem:s25], [sflag:$0x1] =	stream.indirect_vreg.gather [hbm4b:s5+s2], $0x80, v3, vm0, $0xb8;
	[tilespmem:$0x10080] =	vst v63  }
0x2e: {  	_ = 	snop  }
0x2f: {  	[tilespmem:s26], [sflag:$0x1] =	stream.indirect_vreg.gather [hbm4b:s6+s2], $0x80, v3, vm0, $0xb8;
	[tilespmem:$0x10080] =	vst v63  }
0x30: {  	v3 =	vld [tilespmem:$0x10];
	_ =	sdelay $0x4  }
0x31: {  	v57 =	vshll.u32 v3, $0x3  }
0x32: {  	v3 =	vand.u32 $0x7, v3;
	v4 =	vand.u32 $0xFFFFFFC0, v57  }
0x33: {  	v3 =	vor.u32 v3, v4  }
0x34: {  	v4 =	vperm.xlane v3, v0;
	_ =	sdelay $0x1  }
0x35: {  	v4 =	vadd.s32 v1, v4;
	_ =	sdelay $0x4  }
0x36: {  	[tilespmem:s28], [sflag:$0x1] =	stream.indirect_vreg.gather [hbm4b:s3+s2], $0x80, v4, vm0, $0xb8;
	[tilespmem:$0x10080] =	vst v63  }
0x37: {  	v3 =	vperm.xlane v3, v2  }
0x38: {  	[tilespmem:s29], [sflag:$0x1] =	stream.indirect_vreg.gather [hbm4b:s4+s2], $0x80, v4, vm0, $0xb8;
	[tilespmem:$0x10080] =	vst v63  }
0x39: {  	v3 =	vadd.s32 v1, v3  }
0x3a: {  	[tilespmem:s30], [sflag:$0x1] =	stream.indirect_vreg.gather [hbm4b:s5+s2], $0x80, v4, vm0, $0xb8;
	[tilespmem:$0x10080] =	vst v63  }
0x3b: {  	_ = 	snop  }
0x3c: {  	[tilespmem:s31], [sflag:$0x1] =	stream.indirect_vreg.gather [hbm4b:s6+s2], $0x80, v4, vm0, $0xb8;
	[tilespmem:$0x10080] =	vst v63  }
0x3d: {  	s1 =	simm.s32 $0x6080  }
0x3e: {  	[tilespmem:s1], [sflag:$0x1] =	stream.indirect_vreg.gather [hbm4b:s3+s2], $0x80, v3, vm0, $0xb8;
	[tilespmem:$0x10080] =	vst v63  }
0x3f: {  	s1 =	simm.s32 $0x6880  }
0x40: {  	[tilespmem:s1], [sflag:$0x1] =	stream.indirect_vreg.gather [hbm4b:s4+s2], $0x80, v3, vm0, $0xb8;
	[tilespmem:$0x10080] =	vst v63  }
0x41: {  	_ = 	snop  }
0x42: {  	[tilespmem:s10], [sflag:$0x1] =	stream.indirect_vreg.gather [hbm4b:s5+s2], $0x80, v3, vm0, $0xb8;
	[tilespmem:$0x10080] =	vst v63  }
0x43: {  	_ = 	snop  }
0x44: {  	[tilespmem:s11], [sflag:$0x1] =	stream.indirect_vreg.gather [hbm4b:s6+s2], $0x80, v3, vm0, $0xb8;
	[tilespmem:$0x10080] =	vst v63  }
0x45: {  	v3 =	vld [tilespmem:$0x20];
	_ =	sdelay $0x4  }
0x46: {  	v58 =	vshll.u32 v3, $0x3  }
0x47: {  	v3 =	vand.u32 $0x7, v3;
	v4 =	vand.u32 $0xFFFFFFC0, v58  }
0x48: {  	v3 =	vor.u32 v3, v4  }
0x49: {  	v4 =	vperm.xlane v3, v0;
	_ =	sdelay $0x1  }
0x4a: {  	v4 =	vadd.s32 v1, v4;
	_ =	sdelay $0x4  }
0x4b: {  	[tilespmem:s12], [sflag:$0x1] =	stream.indirect_vreg.gather [hbm4b:s3+s2], $0x80, v4, vm0, $0xb8;
	[tilespmem:$0x10080] =	vst v63  }
0x4c: {  	v3 =	vperm.xlane v3, v2  }
0x4d: {  	[tilespmem:s13], [sflag:$0x1] =	stream.indirect_vreg.gather [hbm4b:s4+s2], $0x80, v4, vm0, $0xb8;
	[tilespmem:$0x10080] =	vst v63  }
0x4e: {  	v3 =	vadd.s32 v1, v3  }
0x4f: {  	[tilespmem:s14], [sflag:$0x1] =	stream.indirect_vreg.gather [hbm4b:s5+s2], $0x80, v4, vm0, $0xb8;
	[tilespmem:$0x10080] =	vst v63  }
0x50: {  	_ = 	snop  }
0x51: {  	[tilespmem:s15], [sflag:$0x1] =	stream.indirect_vreg.gather [hbm4b:s6+s2], $0x80, v4, vm0, $0xb8;
	[tilespmem:$0x10080] =	vst v63  }
0x52: {  	_ = 	snop  }
0x53: {  	[tilespmem:s16], [sflag:$0x1] =	stream.indirect_vreg.gather [hbm4b:s3+s2], $0x80, v3, vm0, $0xb8;
	[tilespmem:$0x10080] =	vst v63  }
0x54: {  	_ = 	snop  }
0x55: {  	[tilespmem:s17], [sflag:$0x1] =	stream.indirect_vreg.gather [hbm4b:s4+s2], $0x80, v3, vm0, $0xb8;
	[tilespmem:$0x10080] =	vst v63  }
0x56: {  	_ = 	snop  }
0x57: {  	[tilespmem:s9], [sflag:$0x1] =	stream.indirect_vreg.gather [hbm4b:s5+s2], $0x80, v3, vm0, $0xb8;
	[tilespmem:$0x10080] =	vst v63  }
0x58: {  	s19 =	simm.s32 $0xB880  }
0x59: {  	[tilespmem:s19], [sflag:$0x1] =	stream.indirect_vreg.gather [hbm4b:s6+s2], $0x80, v3, vm0, $0xb8;
	[tilespmem:$0x10080] =	vst v63  }
0x5a: {  	v3 =	vld [tilespmem:$0x30];
	_ =	sdelay $0x4  }
0x5b: {  	v59 =	vshll.u32 v3, $0x3  }
0x5c: {  	v3 =	vand.u32 $0x7, v3;
	v4 =	vand.u32 $0xFFFFFFC0, v59  }
0x5d: {  	v3 =	vor.u32 v3, v4  }
0x5e: {  	v4 =	vperm.xlane v3, v0;
	_ =	sdelay $0x1  }
0x5f: {  	v4 =	vadd.s32 v1, v4;
	_ =	sdelay $0x3  }
0x60: {  	s19 =	simm.s32 $0xC080  }
0x61: {  	[tilespmem:s19], [sflag:$0x1] =	stream.indirect_vreg.gather [hbm4b:s3+s2], $0x80, v4, vm0, $0xb8;
	[tilespmem:$0x10080] =	vst v63  }
0x62: {  	v3 =	vperm.xlane v3, v2;
	s19 =	simm.s32 $0xC880  }
0x63: {  	[tilespmem:s19], [sflag:$0x1] =	stream.indirect_vreg.gather [hbm4b:s4+s2], $0x80, v4, vm0, $0xb8;
	[tilespmem:$0x10080] =	vst v63  }
0x64: {  	v3 =	vadd.s32 v1, v3;
	s19 =	simm.s32 $0xD080  }
0x65: {  	[tilespmem:s19], [sflag:$0x1] =	stream.indirect_vreg.gather [hbm4b:s5+s2], $0x80, v4, vm0, $0xb8;
	[tilespmem:$0x10080] =	vst v63  }
0x66: {  	s19 =	simm.s32 $0xD880  }
0x67: {  	[tilespmem:s19], [sflag:$0x1] =	stream.indirect_vreg.gather [hbm4b:s6+s2], $0x80, v4, vm0, $0xb8;
	[tilespmem:$0x10080] =	vst v63  }
0x68: {  	s19 =	simm.s32 $0xE080  }
0x69: {  	[tilespmem:s19], [sflag:$0x1] =	stream.indirect_vreg.gather [hbm4b:s3+s2], $0x80, v3, vm0, $0xb8;
	[tilespmem:$0x10080] =	vst v63  }
0x6a: {  	s19 =	simm.s32 $0xE880  }
0x6b: {  	[tilespmem:s19], [sflag:$0x1] =	stream.indirect_vreg.gather [hbm4b:s4+s2], $0x80, v3, vm0, $0xb8;
	[tilespmem:$0x10080] =	vst v63  }
0x6c: {  	s19 =	simm.s32 $0xF080  }
0x6d: {  	[tilespmem:s19], [sflag:$0x1] =	stream.indirect_vreg.gather [hbm4b:s5+s2], $0x80, v3, vm0, $0xb8;
	[tilespmem:$0x10080] =	vst v63  }
0x6e: {  	s19 =	simm.s32 $0xF880  }
0x6f: {  	[tilespmem:s19], [sflag:$0x1] =	stream.indirect_vreg.gather [hbm4b:s6+s2], $0x80, v3, vm0, $0xb8;
	[tilespmem:$0x10080] =	vst v63  }
0x70: {  	_ =	swait.ge [sflag:s18], $0x10000  }
0x71: {  	[sflag:s18] =	ssyncset.done $0x0  }
0x72: {  	s19 =	rddreg [dreg:$0x4];
	[sflag:s18] =	ssyncadd.s32 $0xFFFF0000  }
0x73: {  	[hbm4b:s19+s2] =	stream.linear.scatter [tilespmem:s0], [sflag:$0x2], $0x10000, $0x38;
	[tilespmem:$0x10080] =	vst v63  }
0x74: {  	_ =	swait.ge [sflag:s8], $0x10000  }
0x75: {  	[sflag:s8] =	ssyncset.done $0x0  }
0x76: {  	s19 =	rddreg [dreg:$0x5];
	[sflag:s8] =	ssyncadd.s32 $0xFFFF0000  }
0x77: {  	[tilespmem:s2], [sflag:$0x2] =	stream.linear.gather [hbm4b:s19+s2], $0x80, $0x38;
	[tilespmem:$0x10080] =	vst v63  }
0x78: {  	_ =	swait.ge [sflag:s8], $0x80  }
0x79: {  	[sflag:s8] =	ssyncset.done $0x0  }
0x7a: {  	[sflag:s8] =	ssyncadd.s32 $0xFFFFFF80  }
0x7b: {  	v3 =	vld [tilespmem:$0x0];
	_ =	sdelay $0x4  }
0x7c: {  	v60 =	vshll.u32 v3, $0x3  }
0x7d: {  	v3 =	vand.u32 $0x7, v3;
	v4 =	vand.u32 $0xFFFFFFC0, v60  }
0x7e: {  	v3 =	vor.u32 v3, v4  }
0x7f: {  	v4 =	vperm.xlane v3, v0;
	_ =	sdelay $0x1  }
0x80: {  	v4 =	vadd.s32 v1, v4;
	_ =	sdelay $0x4  }
0x81: {  	[tilespmem:s0], [sflag:$0x1] =	stream.indirect_vreg.gather [hbm4b:s3+s2], $0x80, v4, vm0, $0xb8;
	[tilespmem:$0x10080] =	vst v63  }
0x82: {  	v3 =	vperm.xlane v3, v2  }
0x83: {  	[tilespmem:s20], [sflag:$0x1] =	stream.indirect_vreg.gather [hbm4b:s4+s2], $0x80, v4, vm0, $0xb8;
	[tilespmem:$0x10080] =	vst v63  }
0x84: {  	v3 =	vadd.s32 v1, v3  }
0x85: {  	[tilespmem:s21], [sflag:$0x1] =	stream.indirect_vreg.gather [hbm4b:s5+s2], $0x80, v4, vm0, $0xb8;
	[tilespmem:$0x10080] =	vst v63  }
0x86: {  	_ = 	snop  }
0x87: {  	[tilespmem:s22], [sflag:$0x1] =	stream.indirect_vreg.gather [hbm4b:s6+s2], $0x80, v4, vm0, $0xb8;
	[tilespmem:$0x10080] =	vst v63  }
0x88: {  	_ = 	snop  }
0x89: {  	[tilespmem:s23], [sflag:$0x1] =	stream.indirect_vreg.gather [hbm4b:s3+s2], $0x80, v3, vm0, $0xb8;
	[tilespmem:$0x10080] =	vst v63  }
0x8a: {  	_ = 	snop  }
0x8b: {  	[tilespmem:s24], [sflag:$0x1] =	stream.indirect_vreg.gather [hbm4b:s4+s2], $0x80, v3, vm0, $0xb8;
	[tilespmem:$0x10080] =	vst v63  }
0x8c: {  	_ = 	snop  }
0x8d: {  	[tilespmem:s25], [sflag:$0x1] =	stream.indirect_vreg.gather [hbm4b:s5+s2], $0x80, v3, vm0, $0xb8;
	[tilespmem:$0x10080] =	vst v63  }
0x8e: {  	_ = 	snop  }
0x8f: {  	[tilespmem:s26], [sflag:$0x1] =	stream.indirect_vreg.gather [hbm4b:s6+s2], $0x80, v3, vm0, $0xb8;
	[tilespmem:$0x10080] =	vst v63  }
0x90: {  	v3 =	vld [tilespmem:$0x10];
	_ =	sdelay $0x4  }
0x91: {  	v61 =	vshll.u32 v3, $0x3  }
0x92: {  	v3 =	vand.u32 $0x7, v3;
	v4 =	vand.u32 $0xFFFFFFC0, v61  }
0x93: {  	v3 =	vor.u32 v3, v4  }
0x94: {  	v4 =	vperm.xlane v3, v0;
	_ =	sdelay $0x1  }
0x95: {  	v4 =	vadd.s32 v1, v4;
	_ =	sdelay $0x4  }
0x96: {  	[tilespmem:s28], [sflag:$0x1] =	stream.indirect_vreg.gather [hbm4b:s3+s2], $0x80, v4, vm0, $0xb8;
	[tilespmem:$0x10080] =	vst v63  }
0x97: {  	v3 =	vperm.xlane v3, v2  }
0x98: {  	[tilespmem:s29], [sflag:$0x1] =	stream.indirect_vreg.gather [hbm4b:s4+s2], $0x80, v4, vm0, $0xb8;
	[tilespmem:$0x10080] =	vst v63  }
0x99: {  	v3 =	vadd.s32 v1, v3  }
0x9a: {  	[tilespmem:s30], [sflag:$0x1] =	stream.indirect_vreg.gather [hbm4b:s5+s2], $0x80, v4, vm0, $0xb8;
	[tilespmem:$0x10080] =	vst v63  }
0x9b: {  	_ = 	snop  }
0x9c: {  	[tilespmem:s31], [sflag:$0x1] =	stream.indirect_vreg.gather [hbm4b:s6+s2], $0x80, v4, vm0, $0xb8;
	[tilespmem:$0x10080] =	vst v63  }
0x9d: {  	s19 =	simm.s32 $0x6080  }
0x9e: {  	[tilespmem:s19], [sflag:$0x1] =	stream.indirect_vreg.gather [hbm4b:s3+s2], $0x80, v3, vm0, $0xb8;
	[tilespmem:$0x10080] =	vst v63  }
0x9f: {  	_ = 	snop  }
0xa0: {  	[tilespmem:s1], [sflag:$0x1] =	stream.indirect_vreg.gather [hbm4b:s4+s2], $0x80, v3, vm0, $0xb8;
	[tilespmem:$0x10080] =	vst v63  }
0xa1: {  	_ = 	snop  }
0xa2: {  	[tilespmem:s10], [sflag:$0x1] =	stream.indirect_vreg.gather [hbm4b:s5+s2], $0x80, v3, vm0, $0xb8;
	[tilespmem:$0x10080] =	vst v63  }
0xa3: {  	_ = 	snop  }
0xa4: {  	[tilespmem:s11], [sflag:$0x1] =	stream.indirect_vreg.gather [hbm4b:s6+s2], $0x80, v3, vm0, $0xb8;
	[tilespmem:$0x10080] =	vst v63  }
0xa5: {  	v3 =	vld [tilespmem:$0x20];
	_ =	sdelay $0x4  }
0xa6: {  	v62 =	vshll.u32 v3, $0x3  }
0xa7: {  	v3 =	vand.u32 $0x7, v3;
	v4 =	vand.u32 $0xFFFFFFC0, v62  }
0xa8: {  	v3 =	vor.u32 v3, v4  }
0xa9: {  	v4 =	vperm.xlane v3, v0;
	_ =	sdelay $0x1  }
0xaa: {  	v4 =	vadd.s32 v1, v4;
	_ =	sdelay $0x4  }
0xab: {  	[tilespmem:s12], [sflag:$0x1] =	stream.indirect_vreg.gather [hbm4b:s3+s2], $0x80, v4, vm0, $0xb8;
	[tilespmem:$0x10080] =	vst v63  }
0xac: {  	v3 =	vperm.xlane v3, v2  }
0xad: {  	[tilespmem:s13], [sflag:$0x1] =	stream.indirect_vreg.gather [hbm4b:s4+s2], $0x80, v4, vm0, $0xb8;
	[tilespmem:$0x10080] =	vst v63  }
0xae: {  	v3 =	vadd.s32 v1, v3  }
0xaf: {  	[tilespmem:s14], [sflag:$0x1] =	stream.indirect_vreg.gather [hbm4b:s5+s2], $0x80, v4, vm0, $0xb8;
	[tilespmem:$0x10080] =	vst v63  }
0xb0: {  	_ = 	snop  }
0xb1: {  	[tilespmem:s15], [sflag:$0x1] =	stream.indirect_vreg.gather [hbm4b:s6+s2], $0x80, v4, vm0, $0xb8;
	[tilespmem:$0x10080] =	vst v63  }
0xb2: {  	_ = 	snop  }
0xb3: {  	[tilespmem:s16], [sflag:$0x1] =	stream.indirect_vreg.gather [hbm4b:s3+s2], $0x80, v3, vm0, $0xb8;
	[tilespmem:$0x10080] =	vst v63  }
0xb4: {  	_ = 	snop  }
0xb5: {  	[tilespmem:s17], [sflag:$0x1] =	stream.indirect_vreg.gather [hbm4b:s4+s2], $0x80, v3, vm0, $0xb8;
	[tilespmem:$0x10080] =	vst v63  }
0xb6: {  	_ = 	snop  }
0xb7: {  	[tilespmem:s9], [sflag:$0x1] =	stream.indirect_vreg.gather [hbm4b:s5+s2], $0x80, v3, vm0, $0xb8;
	[tilespmem:$0x10080] =	vst v63  }
0xb8: {  	s19 =	simm.s32 $0xB880  }
0xb9: {  	[tilespmem:s19], [sflag:$0x1] =	stream.indirect_vreg.gather [hbm4b:s6+s2], $0x80, v3, vm0, $0xb8;
	[tilespmem:$0x10080] =	vst v63  }
0xba: {  	v3 =	vld [tilespmem:$0x30];
	_ =	sdelay $0x4  }
0xbb: {  	v63 =	vshll.u32 v3, $0x3  }
0xbc: {  	v3 =	vand.u32 $0x7, v3;
	v4 =	vand.u32 $0xFFFFFFC0, v63  }
0xbd: {  	v3 =	vor.u32 v3, v4  }
0xbe: {  	v4 =	vperm.xlane v3, v0;
	_ =	sdelay $0x1  }
0xbf: {  	v4 =	vadd.s32 v1, v4;
	_ =	sdelay $0x3  }
0xc0: {  	s19 =	simm.s32 $0xC080  }
0xc1: {  	[tilespmem:s19], [sflag:$0x1] =	stream.indirect_vreg.gather [hbm4b:s3+s2], $0x80, v4, vm0, $0xb8;
	[tilespmem:$0x10080] =	vst v63  }
0xc2: {  	v3 =	vperm.xlane v3, v2;
	s19 =	simm.s32 $0xC880  }
0xc3: {  	[tilespmem:s19], [sflag:$0x1] =	stream.indirect_vreg.gather [hbm4b:s4+s2], $0x80, v4, vm0, $0xb8;
	[tilespmem:$0x10080] =	vst v63  }
0xc4: {  	v3 =	vadd.s32 v1, v3;
	s19 =	simm.s32 $0xD080  }
0xc5: {  	[tilespmem:s19], [sflag:$0x1] =	stream.indirect_vreg.gather [hbm4b:s5+s2], $0x80, v4, vm0, $0xb8;
	[tilespmem:$0x10080] =	vst v63  }
0xc6: {  	s19 =	simm.s32 $0xD880  }
0xc7: {  	[tilespmem:s19], [sflag:$0x1] =	stream.indirect_vreg.gather [hbm4b:s6+s2], $0x80, v4, vm0, $0xb8;
	[tilespmem:$0x10080] =	vst v63  }
0xc8: {  	s19 =	simm.s32 $0xE080  }
0xc9: {  	[tilespmem:s19], [sflag:$0x1] =	stream.indirect_vreg.gather [hbm4b:s3+s2], $0x80, v3, vm0, $0xb8;
	[tilespmem:$0x10080] =	vst v63  }
0xca: {  	s19 =	simm.s32 $0xE880  }
0xcb: {  	[tilespmem:s19], [sflag:$0x1] =	stream.indirect_vreg.gather [hbm4b:s4+s2], $0x80, v3, vm0, $0xb8;
	[tilespmem:$0x10080] =	vst v63  }
0xcc: {  	s19 =	simm.s32 $0xF080  }
0xcd: {  	[tilespmem:s19], [sflag:$0x1] =	stream.indirect_vreg.gather [hbm4b:s5+s2], $0x80, v3, vm0, $0xb8;
	[tilespmem:$0x10080] =	vst v63  }
0xce: {  	s19 =	simm.s32 $0xF880  }
0xcf: {  	[tilespmem:s19], [sflag:$0x1] =	stream.indirect_vreg.gather [hbm4b:s6+s2], $0x80, v3, vm0, $0xb8;
	[tilespmem:$0x10080] =	vst v63  }
0xd0: {  	_ =	swait.ge [sflag:s18], $0x10000  }
0xd1: {  	p0 =	sne.s32 s7, $0x1;
	[sflag:s18] =	ssyncset.done $0x0  }
.Ltmp0:
0xd2: {  	s1 =	rddreg [dreg:$0x6];
	[sflag:s18] =	ssyncadd.s32 $0xFFFF0000;
	(pc) =	sbr.rel @p0 .LBB2_1-.Ltmp0, $4  }
0xd3: {  	[hbm4b:s1+s2] =	stream.linear.scatter [tilespmem:s0], [sflag:$0x2], $0x10000, $0x38;
	[tilespmem:$0x10080] =	vst v63  }
0xd4: {  	_ =	swait.ge [sflag:s8], $0x10000  }
0xd5: {  	[sflag:s8] =	ssyncset.done $0x0  }
0xd6: {  	s7 =	sadd.s32 $0xFFFFFFFF, s7;
	[sflag:s8] =	ssyncadd.s32 $0xFFFF0000  }
0xd7: {  	_ =	sfence.sel $0x180000  }
0xd8: {  	[bflag:$0x0] =	sbarrier.arrive $0xFFFF  }
0xd9: {  	_ =	strace $0x9000004A  }
0xda: {  	s0 =	stileid.u32;
	[bflag:$0x2] =	sbarrier.arrive $0xFFFF  }
0xdb: {  	p0 =	sne.s32 s0, $0x0;
	s0 =	rddreg [dreg:$0x2]  }
0xdc: {  	s0 =	sadd.s32 @!p0 $0x100000, s0  }
0xdd: {  	[sflag:s0] =	ssyncadd.tile.s32 @!p0 $0x1;
	_ =	shalt  }
.Lfunc_end2:
_tile_overlayer_lowered:
.L_overlay_start_2:
0xde: {  	(tag) =	ssettag $0x2  }
0xdf: {  	s0 =	rddreg [dreg:$0x0];
	s2 =	stileid.u32  }
0xe0: {  	s1 =	rddreg [dreg:$0x1];
	p0 =	sne.s32 s2, $0x0  }
0xe1: {  	s3 =	rddreg [dreg:$0x2];
	[bflag:$0x3] =	sbarrier.arrive $0xFFFF;
	s2 =	simm.s32 @!p0 $0x1C02  }
0xe2: {  	[timem:s3], [sflag:s2] =	dma.local @!p0 [hbm:s0], s1  }
0xe3: {  	s0 =	simm.s32 @!p0 $0x2  }
0xe4: {  	_ =	swait.ge @!p0 [sflag:s0], s1  }
0xe5: {  	s1 =	ssub.s32 @!p0 $0x0, s1;
	[sflag:s0] =	ssyncset.done @!p0 $0x0  }
0xe6: {  	[sflag:s0] =	ssyncadd.s32 @!p0 s1  }
0xe7: {  	[bflag:$0x3] =	sbarrier.arrive $0xFFFF  }
0xe8: {  	_ =	shalt  }

// kernel: kernel.7.cloned.1.call-start
scs
__scs_entry_jumppad:
0x0: {  	(pc) =	sbr.rel $0x88, $3  }
0x1: {  	(tag) =	ssettag $0x0;
	lr =	simm.s32 $0x1  }
0x2: {  	[smem:$0x3F94] =	sst lr;
	_ =	strace $0xD0000000  }
0x3: {  	_ = 	snop  }
0x4: {  	_ = 	snop  }
0x5: {  	_ = 	snop  }
0x6: {  	_ = 	snop  }
0x7: {  	_ = 	snop  }
__scs_overlays_trampoline_lowered:
0x8: {  	[smem:$0x3FA3] =	sst s0  }
0x9: {  	[smem:$0x3FA4] =	sst s1  }
0xa: {  	[smem:$0x3FA5] =	sst s2  }
0xb: {  	[smem:$0x3FA6] =	sst s3  }
0xc: {  	[smem:$0x3FA7] =	sst s4  }
0xd: {  	[smem:$0x3FA8] =	sst s5  }
0xe: {  	[smem:$0x3FA9] =	sst s6  }
0xf: {  	[smem:$0x3FAA] =	sst s7  }
0x10: {  	[smem:$0x3FAB] =	sst s8  }
0x11: {  	[smem:$0x3FAC] =	sst s9;
	s0 =	simm.s32 @!p0 $0x0  }
0x12: {  	s1 =	sld [smem:$0x3F92];
	s0 =	simm.s32 @p0 $0x1  }
0x13: {  	[smem:$0x3FAD] =	sst s0;
	s0 =	simm.s32 @!p1 $0x0  }
0x14: {  	s2 =	sld [smem:$0x3F91];
	s0 =	simm.s32 @p1 $0x1  }
0x15: {  	[smem:$0x3FAE] =	sst s0;
	s0 =	simm.s32 @!p2 $0x0  }
0x16: {  	s3 =	sld [smem:$0x3FDB];
	s0 =	simm.s32 @p2 $0x1  }
0x17: {  	s4 =	simm.s32 $0x1BF5;
	[smem:$0x3FB0] =	sst s0  }
0x18: {  	s0 =	sld [smem:$0x3F93];
	_ =	swait.ge [sflag:s4], $0x0  }
0x19: {  	s7 =	sld [smem:$0x3F94]  }
0x1a: {  	s8 =	sadd.s32 $0xFFFFE003, lr  }
0x1b: {  	s9 =	sadd.s32 $0xFFFFFEF7, lr;
	s5 =	simm.s32 $0xFFFFFFFF;
	p2 =	slt.u32 s8, $0xFFFFF086  }
0x1c: {  	p1 =	slt.u32 s9, $0xF7A;
	s5 =	simm.s32 @!p2 $0x0  }
0x1d: {  	s5 =	simm.s32 @p1 $0x1;
	p0 =	seq.s32 s7, s2  }
0x1e: {  	s7 =	smul.u32 @!p0 $0xF7A, s2;
	p2 =	seq.s32 @!p0 s5, $0x0  }
0x1f: {  	s9 =	smul.u32 $0xF7A, s1;
	s8 =	simm.s32 @!p0 $0x1BF5;
	p2 =	por !p2, p0  }
0x20: {  	[sflag:s8] =	ssyncset.s32 @!p0 $0xFFFFF086;
	s6 =	sadd.s32 @!p0 s3, s7;
	s7 =	simm.s32 @!p0 $0x108  }
0x21: {  	s3 =	sadd.s32 s3, s9;
	s6 =	sadd.s32 @!p0 $0x88, s6;
	s7 =	simm.s32 @p2 $0x1082  }
0x22: {  	[simem:s7], [sflag:s8] =	dma.local @!p0 [hbm:s6], $0xF7A  }
0x23: {  	s9 =	sor.u32 $0xD0000000, s2;
	s6 =	simm.s32 $0x108;
	_ =	swait.ge @!p0 [sflag:s8], $0x0  }
0x24: {  	s3 =	sadd.s32 $0x88, s3;
	s6 =	simm.s32 @!p1 $0x1082;
	[sflag:s4] =	ssyncset.s32 $0xFFFFF086  }
0x25: {  	[simem:s6], [sflag:s4] =	dma.local [hbm:s3], $0xF7A  }
0x26: {  	[smem:$0x3F94] =	sst s1;
	(tag) =	ssettag s2;
	_ =	strace s9  }
0x27: {  	s1 =	sld [smem:$0x3FA4]  }
0x28: {  	s2 =	sld [smem:$0x3FA5]  }
0x29: {  	s4 =	sld [smem:$0x3FA7]  }
0x2a: {  	p0 =	seq.s32 s5, $0x0;
	s5 =	sld [smem:$0x3FA8]  }
0x2b: {  	s6 =	sld [smem:$0x3FA9]  }
0x2c: {  	s7 =	sld [smem:$0x3FAA]  }
0x2d: {  	s3 =	simm.s32 $0x108;
	s8 =	sld [smem:$0x3FAB]  }
0x2e: {  	s3 =	simm.s32 @!p0 $0x1082;
	s9 =	sld [smem:$0x3FAC]  }
0x2f: {  	lr =	sadd.s32 s0, s3;
	s0 =	sld [smem:$0x3FA3]  }
0x30: {  	s3 =	sld [smem:$0x3FA6]  }
0x31: {  	[smem:$0x3FAF] =	sst s10  }
0x32: {  	s10 =	sld [smem:$0x3FAD];
	_ =	sdelay $0x3  }
0x33: {  	p0 =	seq.s32 s10, $0x1;
	s10 =	sld [smem:$0x3FAF];
	_ =	sdelay $0x3  }
0x34: {  	[smem:$0x3FAF] =	sst s10  }
0x35: {  	s10 =	sld [smem:$0x3FAE];
	_ =	sdelay $0x3  }
0x36: {  	p1 =	seq.s32 s10, $0x1;
	s10 =	sld [smem:$0x3FAF];
	_ =	sdelay $0x3  }
0x37: {  	[smem:$0x3FAF] =	sst s10  }
0x38: {  	s10 =	sld [smem:$0x3FB0]  }
0x39: {  	_ = 	snop;
	(pc) =	sbr.ind lr, $3  }
0x3a: {  	_ = 	snop  }
0x3b: {  	_ = 	snop  }
0x3c: {  	p2 =	seq.s32 s10, $0x1;
	s10 =	sld [smem:$0x3FAF]  }
0x3d: {  	_ =	shalt  }
0x3e: {  	_ =	shalt  }
0x3f: {  	_ =	shalt  }
0x40: {  	_ =	shalt  }
0x41: {  	_ =	shalt  }
0x42: {  	_ =	shalt  }
0x43: {  	_ =	shalt  }
0x44: {  	_ =	shalt  }
0x45: {  	_ =	shalt  }
0x46: {  	_ =	shalt  }
0x47: {  	_ =	shalt  }
0x48: {  	_ =	shalt  }
0x49: {  	_ =	shalt  }
0x4a: {  	_ =	shalt  }
0x4b: {  	_ =	shalt  }
0x4c: {  	_ =	shalt  }
0x4d: {  	_ =	shalt  }
0x4e: {  	_ =	shalt  }
0x4f: {  	_ =	shalt  }
0x50: {  	_ =	shalt  }
0x51: {  	_ =	shalt  }
0x52: {  	_ =	shalt  }
0x53: {  	_ =	shalt  }
0x54: {  	_ =	shalt  }
0x55: {  	_ =	shalt  }
0x56: {  	_ =	shalt  }
0x57: {  	_ =	shalt  }
0x58: {  	_ =	shalt  }
0x59: {  	_ =	shalt  }
0x5a: {  	_ =	shalt  }
0x5b: {  	_ =	shalt  }
0x5c: {  	_ =	shalt  }
0x5d: {  	_ =	shalt  }
0x5e: {  	_ =	shalt  }
0x5f: {  	_ =	shalt  }
0x60: {  	_ =	shalt  }
0x61: {  	_ =	shalt  }
0x62: {  	_ =	shalt  }
0x63: {  	_ =	shalt  }
0x64: {  	_ =	shalt  }
0x65: {  	_ =	shalt  }
0x66: {  	_ =	shalt  }
0x67: {  	_ =	shalt  }
0x68: {  	_ =	shalt  }
0x69: {  	_ =	shalt  }
0x6a: {  	_ =	shalt  }
0x6b: {  	_ =	shalt  }
0x6c: {  	_ =	shalt  }
0x6d: {  	_ =	shalt  }
0x6e: {  	_ =	shalt  }
0x6f: {  	_ =	shalt  }
0x70: {  	_ =	shalt  }
0x71: {  	_ =	shalt  }
0x72: {  	_ =	shalt  }
0x73: {  	_ =	shalt  }
0x74: {  	_ =	shalt  }
0x75: {  	_ =	shalt  }
0x76: {  	_ =	shalt  }
0x77: {  	_ =	shalt  }
0x78: {  	_ =	shalt  }
0x79: {  	_ =	shalt  }
0x7a: {  	_ =	shalt  }
0x7b: {  	_ =	shalt  }
0x7c: {  	_ =	shalt  }
0x7d: {  	_ =	shalt  }
0x7e: {  	_ =	shalt  }
0x7f: {  	_ =	shalt  }
0x80: {  	_ =	shalt  }
0x81: {  	_ =	shalt  }
0x82: {  	_ =	shalt  }
0x83: {  	_ =	shalt  }
0x84: {  	_ =	shalt  }
0x85: {  	_ =	shalt  }
0x86: {  	_ =	shalt  }
0x87: {  	_ =	shalt  }
.Lfunc_end0:
.L_simem_size_0:
called_computation_lowered:
.L_overlay_start_0:
0x88: {  	s2 =	sld [smem:$0x3FD9]  }
0x89: {  	s3 =	sld [smem:$0x3FFE];
	_ =	sdelay $0x1  }
0x8a: {  	s1 =	srdreg.scid  }
0x8b: {  	s0 =	sand.u32 $0x1, s1  }
0x8c: {  	s14 =	sshll.u32 s0, $0xA;
	s2 =	sadd.s32 s3, s2  }
0x8d: {  	s2 =	sadd.s32 s2, s14  }
0x8e: {  	[smem:$0x3FBB] =	sst s2  }
0x8f: {  	_ = 	snop  }
0x90: {  	s2 =	sld [smem:$0x3FD0];
	_ =	sdelay $0x2  }
0x91: {  	s15 =	simm.s32 $0xA;
	s4 =	simm.s32 $0x10  }
0x92: {  	[smem:s4], [sflag:s15] =	dma.local [hbm:s2], $0x1  }
0x93: {  	_ =	swait.eq [sflag:s15], $0x1  }
0x94: {  	[sflag:s15] =	ssyncset.done $0x0  }
0x95: {  	[sflag:s15] =	ssyncadd.s32 $0xFFFFFFFF  }
0x96: {  	s16 =	sld [smem:$0x10];
	(tm) =	ssettm $0x1  }
0x97: {  	s17 =	sld [smem:$0x3FFB];
	_ =	sdelay $0x3  }
0x98: {  	_ =	strace s17  }
0x99: {  	s3 =	sld [smem:$0x3FFC];
	_ =	sdelay $0x3  }
0x9a: {  	_ =	strace s3  }
0x9b: {  	s3 =	sld [smem:$0x3FFD];
	_ =	sdelay $0x3  }
0x9c: {  	_ =	strace s3  }
0x9d: {  	_ =	strace $0x8FFFFFFF  }
0x9e: {  	s18 =	sld [smem:$0x3FDB];
	_ =	sdelay $0x1  }
0x9f: {  	s19 =	simm.s32 $_scs_section_size  }
0xa0: {  	s5 =	simm.s32 $_size__tile_overlayer_lowered;
	s6 =	simm.s32 $_tile_overlayer_lowered  }
0xa1: {  	s22 =	simm.s32 $0x1BFF;
	s21 =	sshll.u32 s6, $0x1;
	s3 =	sadd.s32 s19, s18  }
0xa2: {  	s7 =	simm.s32 $0x0;
	s20 =	sshll.u32 s5, $0x1;
	s5 =	sadd.s32 s21, s3  }
0xa3: {  	[timem:s7], [sflag:s22] =	dma.local [hbm:s5], s20  }
0xa4: {  	_ =	swait.ge [sflag:s22], s20  }
0xa5: {  	s4 =	ssub.s32 $0x0, s20;
	[sflag:s22] =	ssyncset.done $0x0  }
0xa6: {  	[sflag:s22] =	ssyncadd.s32 s4;
	_ =	sdelay $0x1  }
0xa7: {  	s23 =	simm.s32 $0x1B8B  }
0xa8: {  	_ =	swait.ge [sflag:s23], $0x1  }
0xa9: {  	[sflag:s23] =	ssyncset.done $0x0  }
0xaa: {  	s25 =	simm.s32 $0x1B8E;
	s24 =	sld [smem:$0x3FFE];
	[sflag:s23] =	ssyncadd.s32 $0xFFFFFFFF  }
0xab: {  	s26 =	simm.s32 $execute0_lowered;
	[smem:$0x3FD2] =	sst s25  }
0xac: {  	s5 =	sshll.u32 s26, $0x1;
	_ =	strace $0x80000046;
	[dreg:$0x1] =	wrdreg $0xFFFFFFFF  }
0xad: {  	s28 =	simm.s32 $_size_execute0_lowered;
	s3 =	sadd.s32 s3, s5;
	[dreg:$0x0] =	wrdreg $0x0  }
0xae: {  	s5 =	sshll.u32 s28, $0x1;
	[dreg:$0x2] =	wrdreg s3  }
0xaf: {  	[dreg:$0x3] =	wrdreg s5  }
0xb0: {  	[dreg:$0x4] =	wrdreg $0xC0  }
0xb1: {  	_ =	task [dreg:s7], $0x5FFFF  }
0xb2: {  	[dreg:$0x1] =	wrdreg $0xFFFFFFFF  }
0xb3: {  	[dreg:$0x0] =	wrdreg $0x60  }
0xb4: {  	[dreg:$0x2] =	wrdreg s24  }
0xb5: {  	[dreg:$0x3] =	wrdreg s16  }
0xb6: {  	[dreg:$0x4] =	wrdreg $0x9  }
0xb7: {  	_ =	task.clear_ibuf [dreg:s7], $0x5FFFF;
	_ =	strace $0x90000046  }
0xb8: {  	s29 =	simm.s32 $0x9;
	_ =	strace $0x80000048  }
0xb9: {  	_ =	swait.ge [sflag:s29], $0x1  }
0xba: {  	[sflag:s29] =	ssyncadd.s32 $0xFFFFFFFF  }
0xbb: {  	_ =	strace $0x90000048  }
0xbc: {  	_ =	sfence  }
0xbd: {  	s30 =	sld [smem:$0x0];
	_ =	sdelay $0x2  }
0xbe: {  	s31 =	sshll.u32 s1, $0xD;
	s1 =	sshrl.u32 s1, $0x2  }
0xbf: {  	s3 =	sand.u32 $0x4000, s31;
	s1 =	sadd.s32 s1, s30  }
0xc0: {  	s0 =	sor.u32 s3, s0;
	s1 =	sshll.u32 s1, $0x11  }
0xc1: {  	s0 =	sor.u32 s1, s0  }
0xc2: {  	s0 =	sadd.s32 $0x8F2B, s0  }
0xc3: {  	[sflag:s0] =	ssyncadd.remote.s32 $0x1  }
0xc4: {  	_ =	sfence.sel $0xFFFF  }
0xc5: {  	[dreg:$0x0] =	wrdreg $0xFFFFFFFF;
	(pc) =	sbr.abs _section_cstart, $3  }
0xc6: {  	[dreg:$0x1] =	wrdreg $0xFFFFFFFF  }
0xc7: {  	_ =	task.clear_ibuf [dreg:s7], $0x2FFFF;
	_ =	strace $0x9FFFFFFF  }
0xc8: {  	(tm) =	ssettm $0x7FFFFFFF  }
0xc9: {  	_ =	shalt  }
tec
execute0_lowered:
.L_overlay_start_1:
0x0: {  	(tag) =	ssettag $0x1  }
0x1: {  	s0 =	rddreg [dreg:$0x0]  }
0x2: {  	s1 =	rddreg [dreg:$0x1];
	s2 =	simm.s32 $0x0;
	s3 =	srdreg.scid  }
0x3: {  	s9 =	stileid.u32;
	s18 =	simm.s32 $0x1;
	s28 =	simm.s32 $0x4080  }
0x4: {  	s29 =	simm.s32 $0x4880;
	s30 =	simm.s32 $0x5080;
	s31 =	simm.s32 $0x5880  }
0x5: {  	s10 =	simm.s32 $0x7080;
	s11 =	simm.s32 $0x7880;
	s12 =	simm.s32 $0x8080  }
0x6: {  	s13 =	simm.s32 $0x8880;
	s14 =	simm.s32 $0x9080;
	s15 =	simm.s32 $0x9880  }
0x7: {  	s16 =	simm.s32 $0xA080;
	s17 =	simm.s32 $0xA880;
	[smem:$0x7FF] =	sst s2  }
0x8: {  	s3 =	sand.u32 $0x1, s3;
	s5 =	sshll.u32 s9, $0x1;
	s7 =	sadd.s32 $0x1800, s0  }
0x9: {  	s20 =	sshll.u32 s9, $0x6;
	_ =	strace $0x80000047;
	s4 =	ssub.s32 $0x2, s3  }
0xa: {  	s5 =	sor.u32 s3, s5;
	s3 =	sadd.s32 $0x111800, s0;
	s24 =	sand.u32 $0x380, s20  }
0xb: {  	s20 =	simm.s32 $0x880;
	s6 =	sshrl.u32 s4, $0x1;
	s19 =	sshll.u32 s5, $0x5  }
0xc: {  	s21 =	sshll.u32 s5, $0xE;
	s23 =	sshllo.u32 s5, $0x1;
	s5 =	sadd.s32 $0x111A00, s0  }
0xd: {  	s8 =	ssub.s32 s4, s6;
	s4 =	sadd.s32 s1, s19;
	s22 =	sadd.s32 s7, s21  }
0xe: {  	s25 =	sshll.u32 s23, $0x4;
	s1 =	sadd.s32 s1, s24;
	s9 =	sshll.u32 s23, $0xD  }
0xf: {  	s21 =	simm.s32 $0x1080;
	s23 =	simm.s32 $0x2080;
	[dreg:$0x3] =	wrdreg s4  }
0x10: {  	s24 =	simm.s32 $0x2880;
	[dreg:$0x4] =	wrdreg s22;
	s4 =	sadd.s32 $0x111900, s0  }
0x11: {  	s6 =	sand.u32 $0x70, s25;
	s26 =	sadd.s32 s7, s9;
	s7 =	smax.u32 s8, $0x1  }
0x12: {  	v2 =	vlaneseq.u32;
	s8 =	simm.s32 $0x2;
	s22 =	simm.s32 $0x1880;
	s25 =	simm.s32 $0x3080  }
0x13: {  	vm0 =	vmmov $0xffff;
	v1 =	vshrl.u32 v2, $0x3;
	s9 =	simm.s32 $0xB080;
	s1 =	sadd.s32 s6, s1;
	[dreg:$0x6] =	wrdreg s26  }
0x14: {  	v0 =	vand.u32 $0x7, v2;
	v2 =	vor.u32 $0x8, v2;
	v1 =	vmul.u32 $0x8, v1;
	s6 =	sadd.s32 $0x111B00, s0;
	s26 =	simm.s32 $0x3880;
	[dreg:$0x5] =	wrdreg s1  }
.LBB2_1:
0x15: {  	s19 =	rddreg [dreg:$0x3]  }
0x16: {  	[tilespmem:s2], [sflag:$0x2] =	stream.linear.gather [hbm4b:s19+s2], $0x80, $0x38;
	[tilespmem:$0x10080] =	vst v63  }
0x17: {  	_ =	swait.ge [sflag:s8], $0x80  }
0x18: {  	[sflag:s8] =	ssyncset.done $0x0  }
0x19: {  	s0 =	simm.s32 $0x80;
	s1 =	rddreg [dreg:$0x4];
	[sflag:s8] =	ssyncadd.s32 $0xFFFFFF80  }
0x1a: {  	[tilespmem:s0], [sflag:$0x2] =	stream.linear.gather [hbm4b:s1+s2], $0x10000, $0x38;
	[tilespmem:$0x10080] =	vst v63  }
0x1b: {  	_ =	swait.ge [sflag:s8], $0x10000  }
0x1c: {  	[sflag:s8] =	ssyncset.done $0x0  }
0x1d: {  	[sflag:s8] =	ssyncadd.s32 $0xFFFF0000  }
0x1e: {  	v3 =	vld [tilespmem:$0x0];
	_ =	sdelay $0x4  }
0x1f: {  	v4 =	vshll.u32 v3, $0x3  }
0x20: {  	v3 =	vand.u32 $0x7, v3;
	v4 =	vand.u32 $0xFFFFFFC0, v4  }
0x21: {  	v3 =	vor.u32 v3, v4  }
0x22: {  	v4 =	vperm.xlane v3, v0;
	_ =	sdelay $0x1  }
0x23: {  	v4 =	vadd.s32 v1, v4;
	_ =	sdelay $0x4  }
0x24: {  	[hbm4b:s3+s2] =	stream.indirect_vreg.scatter [tilespmem:s0], [sflag:$0x1], $0x80, v4, vm0, $0xb8;
	[tilespmem:$0x10080] =	vst v63  }
0x25: {  	v3 =	vperm.xlane v3, v2  }
0x26: {  	[hbm4b:s4+s2] =	stream.indirect_vreg.scatter [tilespmem:s20], [sflag:$0x1], $0x80, v4, vm0, $0xb8;
	[tilespmem:$0x10080] =	vst v63  }
0x27: {  	v3 =	vadd.s32 v1, v3  }
0x28: {  	[hbm4b:s5+s2] =	stream.indirect_vreg.scatter [tilespmem:s21], [sflag:$0x1], $0x80, v4, vm0, $0xb8;
	[tilespmem:$0x10080] =	vst v63  }
0x29: {  	_ = 	snop  }
0x2a: {  	[hbm4b:s6+s2] =	stream.indirect_vreg.scatter [tilespmem:s22], [sflag:$0x1], $0x80, v4, vm0, $0xb8;
	[tilespmem:$0x10080] =	vst v63  }
0x2b: {  	_ = 	snop  }
0x2c: {  	[hbm4b:s3+s2] =	stream.indirect_vreg.scatter [tilespmem:s23], [sflag:$0x1], $0x80, v3, vm0, $0xb8;
	[tilespmem:$0x10080] =	vst v63  }
0x2d: {  	_ = 	snop  }
0x2e: {  	[hbm4b:s4+s2] =	stream.indirect_vreg.scatter [tilespmem:s24], [sflag:$0x1], $0x80, v3, vm0, $0xb8;
	[tilespmem:$0x10080] =	vst v63  }
0x2f: {  	_ = 	snop  }
0x30: {  	[hbm4b:s5+s2] =	stream.indirect_vreg.scatter [tilespmem:s25], [sflag:$0x1], $0x80, v3, vm0, $0xb8;
	[tilespmem:$0x10080] =	vst v63  }
0x31: {  	_ = 	snop  }
0x32: {  	[hbm4b:s6+s2] =	stream.indirect_vreg.scatter [tilespmem:s26], [sflag:$0x1], $0x80, v3, vm0, $0xb8;
	[tilespmem:$0x10080] =	vst v63  }
0x33: {  	v3 =	vld [tilespmem:$0x10];
	_ =	sdelay $0x4  }
0x34: {  	v57 =	vshll.u32 v3, $0x3  }
0x35: {  	v3 =	vand.u32 $0x7, v3;
	v4 =	vand.u32 $0xFFFFFFC0, v57  }
0x36: {  	v3 =	vor.u32 v3, v4  }
0x37: {  	v4 =	vperm.xlane v3, v0;
	_ =	sdelay $0x1  }
0x38: {  	v4 =	vadd.s32 v1, v4;
	_ =	sdelay $0x4  }
0x39: {  	[hbm4b:s3+s2] =	stream.indirect_vreg.scatter [tilespmem:s28], [sflag:$0x1], $0x80, v4, vm0, $0xb8;
	[tilespmem:$0x10080] =	vst v63  }
0x3a: {  	v3 =	vperm.xlane v3, v2  }
0x3b: {  	[hbm4b:s4+s2] =	stream.indirect_vreg.scatter [tilespmem:s29], [sflag:$0x1], $0x80, v4, vm0, $0xb8;
	[tilespmem:$0x10080] =	vst v63  }
0x3c: {  	v3 =	vadd.s32 v1, v3  }
0x3d: {  	[hbm4b:s5+s2] =	stream.indirect_vreg.scatter [tilespmem:s30], [sflag:$0x1], $0x80, v4, vm0, $0xb8;
	[tilespmem:$0x10080] =	vst v63  }
0x3e: {  	_ = 	snop  }
0x3f: {  	[hbm4b:s6+s2] =	stream.indirect_vreg.scatter [tilespmem:s31], [sflag:$0x1], $0x80, v4, vm0, $0xb8;
	[tilespmem:$0x10080] =	vst v63  }
0x40: {  	s1 =	simm.s32 $0x6080  }
0x41: {  	[hbm4b:s3+s2] =	stream.indirect_vreg.scatter [tilespmem:s1], [sflag:$0x1], $0x80, v3, vm0, $0xb8;
	[tilespmem:$0x10080] =	vst v63  }
0x42: {  	s1 =	simm.s32 $0x6880  }
0x43: {  	[hbm4b:s4+s2] =	stream.indirect_vreg.scatter [tilespmem:s1], [sflag:$0x1], $0x80, v3, vm0, $0xb8;
	[tilespmem:$0x10080] =	vst v63  }
0x44: {  	_ = 	snop  }
0x45: {  	[hbm4b:s5+s2] =	stream.indirect_vreg.scatter [tilespmem:s10], [sflag:$0x1], $0x80, v3, vm0, $0xb8;
	[tilespmem:$0x10080] =	vst v63  }
0x46: {  	_ = 	snop  }
0x47: {  	[hbm4b:s6+s2] =	stream.indirect_vreg.scatter [tilespmem:s11], [sflag:$0x1], $0x80, v3, vm0, $0xb8;
	[tilespmem:$0x10080] =	vst v63  }
0x48: {  	v3 =	vld [tilespmem:$0x20];
	_ =	sdelay $0x4  }
0x49: {  	v58 =	vshll.u32 v3, $0x3  }
0x4a: {  	v3 =	vand.u32 $0x7, v3;
	v4 =	vand.u32 $0xFFFFFFC0, v58  }
0x4b: {  	v3 =	vor.u32 v3, v4  }
0x4c: {  	v4 =	vperm.xlane v3, v0;
	_ =	sdelay $0x1  }
0x4d: {  	v4 =	vadd.s32 v1, v4;
	_ =	sdelay $0x4  }
0x4e: {  	[hbm4b:s3+s2] =	stream.indirect_vreg.scatter [tilespmem:s12], [sflag:$0x1], $0x80, v4, vm0, $0xb8;
	[tilespmem:$0x10080] =	vst v63  }
0x4f: {  	v3 =	vperm.xlane v3, v2  }
0x50: {  	[hbm4b:s4+s2] =	stream.indirect_vreg.scatter [tilespmem:s13], [sflag:$0x1], $0x80, v4, vm0, $0xb8;
	[tilespmem:$0x10080] =	vst v63  }
0x51: {  	v3 =	vadd.s32 v1, v3  }
0x52: {  	[hbm4b:s5+s2] =	stream.indirect_vreg.scatter [tilespmem:s14], [sflag:$0x1], $0x80, v4, vm0, $0xb8;
	[tilespmem:$0x10080] =	vst v63  }
0x53: {  	_ = 	snop  }
0x54: {  	[hbm4b:s6+s2] =	stream.indirect_vreg.scatter [tilespmem:s15], [sflag:$0x1], $0x80, v4, vm0, $0xb8;
	[tilespmem:$0x10080] =	vst v63  }
0x55: {  	_ = 	snop  }
0x56: {  	[hbm4b:s3+s2] =	stream.indirect_vreg.scatter [tilespmem:s16], [sflag:$0x1], $0x80, v3, vm0, $0xb8;
	[tilespmem:$0x10080] =	vst v63  }
0x57: {  	_ = 	snop  }
0x58: {  	[hbm4b:s4+s2] =	stream.indirect_vreg.scatter [tilespmem:s17], [sflag:$0x1], $0x80, v3, vm0, $0xb8;
	[tilespmem:$0x10080] =	vst v63  }
0x59: {  	_ = 	snop  }
0x5a: {  	[hbm4b:s5+s2] =	stream.indirect_vreg.scatter [tilespmem:s9], [sflag:$0x1], $0x80, v3, vm0, $0xb8;
	[tilespmem:$0x10080] =	vst v63  }
0x5b: {  	s19 =	simm.s32 $0xB880  }
0x5c: {  	[hbm4b:s6+s2] =	stream.indirect_vreg.scatter [tilespmem:s19], [sflag:$0x1], $0x80, v3, vm0, $0xb8;
	[tilespmem:$0x10080] =	vst v63  }
0x5d: {  	v3 =	vld [tilespmem:$0x30];
	_ =	sdelay $0x4  }
0x5e: {  	v59 =	vshll.u32 v3, $0x3  }
0x5f: {  	v3 =	vand.u32 $0x7, v3;
	v4 =	vand.u32 $0xFFFFFFC0, v59  }
0x60: {  	v3 =	vor.u32 v3, v4  }
0x61: {  	v4 =	vperm.xlane v3, v0;
	_ =	sdelay $0x1  }
0x62: {  	v4 =	vadd.s32 v1, v4;
	_ =	sdelay $0x3  }
0x63: {  	s19 =	simm.s32 $0xC080  }
0x64: {  	[hbm4b:s3+s2] =	stream.indirect_vreg.scatter [tilespmem:s19], [sflag:$0x1], $0x80, v4, vm0, $0xb8;
	[tilespmem:$0x10080] =	vst v63  }
0x65: {  	v3 =	vperm.xlane v3, v2;
	s19 =	simm.s32 $0xC880  }
0x66: {  	[hbm4b:s4+s2] =	stream.indirect_vreg.scatter [tilespmem:s19], [sflag:$0x1], $0x80, v4, vm0, $0xb8;
	[tilespmem:$0x10080] =	vst v63  }
0x67: {  	v3 =	vadd.s32 v1, v3;
	s19 =	simm.s32 $0xD080  }
0x68: {  	[hbm4b:s5+s2] =	stream.indirect_vreg.scatter [tilespmem:s19], [sflag:$0x1], $0x80, v4, vm0, $0xb8;
	[tilespmem:$0x10080] =	vst v63  }
0x69: {  	s19 =	simm.s32 $0xD880  }
0x6a: {  	[hbm4b:s6+s2] =	stream.indirect_vreg.scatter [tilespmem:s19], [sflag:$0x1], $0x80, v4, vm0, $0xb8;
	[tilespmem:$0x10080] =	vst v63  }
0x6b: {  	s19 =	simm.s32 $0xE080  }
0x6c: {  	[hbm4b:s3+s2] =	stream.indirect_vreg.scatter [tilespmem:s19], [sflag:$0x1], $0x80, v3, vm0, $0xb8;
	[tilespmem:$0x10080] =	vst v63  }
0x6d: {  	s19 =	simm.s32 $0xE880  }
0x6e: {  	[hbm4b:s4+s2] =	stream.indirect_vreg.scatter [tilespmem:s19], [sflag:$0x1], $0x80, v3, vm0, $0xb8;
	[tilespmem:$0x10080] =	vst v63  }
0x6f: {  	s19 =	simm.s32 $0xF080  }
0x70: {  	[hbm4b:s5+s2] =	stream.indirect_vreg.scatter [tilespmem:s19], [sflag:$0x1], $0x80, v3, vm0, $0xb8;
	[tilespmem:$0x10080] =	vst v63  }
0x71: {  	s19 =	simm.s32 $0xF880  }
0x72: {  	[hbm4b:s6+s2] =	stream.indirect_vreg.scatter [tilespmem:s19], [sflag:$0x1], $0x80, v3, vm0, $0xb8;
	[tilespmem:$0x10080] =	vst v63  }
0x73: {  	_ =	swait.ge [sflag:s18], $0x10000  }
0x74: {  	[sflag:s18] =	ssyncset.done $0x0  }
0x75: {  	s19 =	rddreg [dreg:$0x5];
	[sflag:s18] =	ssyncadd.s32 $0xFFFF0000  }
0x76: {  	[tilespmem:s2], [sflag:$0x2] =	stream.linear.gather [hbm4b:s19+s2], $0x80, $0x38;
	[tilespmem:$0x10080] =	vst v63  }
0x77: {  	_ =	swait.ge [sflag:s8], $0x80  }
0x78: {  	[sflag:s8] =	ssyncset.done $0x0  }
0x79: {  	s19 =	rddreg [dreg:$0x6];
	[sflag:s8] =	ssyncadd.s32 $0xFFFFFF80  }
0x7a: {  	[tilespmem:s0], [sflag:$0x2] =	stream.linear.gather [hbm4b:s19+s2], $0x10000, $0x38;
	[tilespmem:$0x10080] =	vst v63  }
0x7b: {  	_ =	swait.ge [sflag:s8], $0x10000  }
0x7c: {  	[sflag:s8] =	ssyncset.done $0x0  }
0x7d: {  	[sflag:s8] =	ssyncadd.s32 $0xFFFF0000  }
0x7e: {  	v3 =	vld [tilespmem:$0x0];
	_ =	sdelay $0x4  }
0x7f: {  	v60 =	vshll.u32 v3, $0x3  }
0x80: {  	v3 =	vand.u32 $0x7, v3;
	v4 =	vand.u32 $0xFFFFFFC0, v60  }
0x81: {  	v3 =	vor.u32 v3, v4  }
0x82: {  	v4 =	vperm.xlane v3, v0;
	_ =	sdelay $0x1  }
0x83: {  	v4 =	vadd.s32 v1, v4;
	_ =	sdelay $0x4  }
0x84: {  	[hbm4b:s3+s2] =	stream.indirect_vreg.scatter [tilespmem:s0], [sflag:$0x1], $0x80, v4, vm0, $0xb8;
	[tilespmem:$0x10080] =	vst v63  }
0x85: {  	v3 =	vperm.xlane v3, v2  }
0x86: {  	[hbm4b:s4+s2] =	stream.indirect_vreg.scatter [tilespmem:s20], [sflag:$0x1], $0x80, v4, vm0, $0xb8;
	[tilespmem:$0x10080] =	vst v63  }
0x87: {  	v3 =	vadd.s32 v1, v3  }
0x88: {  	[hbm4b:s5+s2] =	stream.indirect_vreg.scatter [tilespmem:s21], [sflag:$0x1], $0x80, v4, vm0, $0xb8;
	[tilespmem:$0x10080] =	vst v63  }
0x89: {  	_ = 	snop  }
0x8a: {  	[hbm4b:s6+s2] =	stream.indirect_vreg.scatter [tilespmem:s22], [sflag:$0x1], $0x80, v4, vm0, $0xb8;
	[tilespmem:$0x10080] =	vst v63  }
0x8b: {  	_ = 	snop  }
0x8c: {  	[hbm4b:s3+s2] =	stream.indirect_vreg.scatter [tilespmem:s23], [sflag:$0x1], $0x80, v3, vm0, $0xb8;
	[tilespmem:$0x10080] =	vst v63  }
0x8d: {  	_ = 	snop  }
0x8e: {  	[hbm4b:s4+s2] =	stream.indirect_vreg.scatter [tilespmem:s24], [sflag:$0x1], $0x80, v3, vm0, $0xb8;
	[tilespmem:$0x10080] =	vst v63  }
0x8f: {  	_ = 	snop  }
0x90: {  	[hbm4b:s5+s2] =	stream.indirect_vreg.scatter [tilespmem:s25], [sflag:$0x1], $0x80, v3, vm0, $0xb8;
	[tilespmem:$0x10080] =	vst v63  }
0x91: {  	_ = 	snop  }
0x92: {  	[hbm4b:s6+s2] =	stream.indirect_vreg.scatter [tilespmem:s26], [sflag:$0x1], $0x80, v3, vm0, $0xb8;
	[tilespmem:$0x10080] =	vst v63  }
0x93: {  	v3 =	vld [tilespmem:$0x10];
	_ =	sdelay $0x4  }
0x94: {  	v61 =	vshll.u32 v3, $0x3  }
0x95: {  	v3 =	vand.u32 $0x7, v3;
	v4 =	vand.u32 $0xFFFFFFC0, v61  }
0x96: {  	v3 =	vor.u32 v3, v4  }
0x97: {  	v4 =	vperm.xlane v3, v0;
	_ =	sdelay $0x1  }
0x98: {  	v4 =	vadd.s32 v1, v4;
	_ =	sdelay $0x4  }
0x99: {  	[hbm4b:s3+s2] =	stream.indirect_vreg.scatter [tilespmem:s28], [sflag:$0x1], $0x80, v4, vm0, $0xb8;
	[tilespmem:$0x10080] =	vst v63  }
0x9a: {  	v3 =	vperm.xlane v3, v2  }
0x9b: {  	[hbm4b:s4+s2] =	stream.indirect_vreg.scatter [tilespmem:s29], [sflag:$0x1], $0x80, v4, vm0, $0xb8;
	[tilespmem:$0x10080] =	vst v63  }
0x9c: {  	v3 =	vadd.s32 v1, v3  }
0x9d: {  	[hbm4b:s5+s2] =	stream.indirect_vreg.scatter [tilespmem:s30], [sflag:$0x1], $0x80, v4, vm0, $0xb8;
	[tilespmem:$0x10080] =	vst v63  }
0x9e: {  	_ = 	snop  }
0x9f: {  	[hbm4b:s6+s2] =	stream.indirect_vreg.scatter [tilespmem:s31], [sflag:$0x1], $0x80, v4, vm0, $0xb8;
	[tilespmem:$0x10080] =	vst v63  }
0xa0: {  	s19 =	simm.s32 $0x6080  }
0xa1: {  	[hbm4b:s3+s2] =	stream.indirect_vreg.scatter [tilespmem:s19], [sflag:$0x1], $0x80, v3, vm0, $0xb8;
	[tilespmem:$0x10080] =	vst v63  }
0xa2: {  	_ = 	snop  }
0xa3: {  	[hbm4b:s4+s2] =	stream.indirect_vreg.scatter [tilespmem:s1], [sflag:$0x1], $0x80, v3, vm0, $0xb8;
	[tilespmem:$0x10080] =	vst v63  }
0xa4: {  	_ = 	snop  }
0xa5: {  	[hbm4b:s5+s2] =	stream.indirect_vreg.scatter [tilespmem:s10], [sflag:$0x1], $0x80, v3, vm0, $0xb8;
	[tilespmem:$0x10080] =	vst v63  }
0xa6: {  	_ = 	snop  }
0xa7: {  	[hbm4b:s6+s2] =	stream.indirect_vreg.scatter [tilespmem:s11], [sflag:$0x1], $0x80, v3, vm0, $0xb8;
	[tilespmem:$0x10080] =	vst v63  }
0xa8: {  	v3 =	vld [tilespmem:$0x20];
	_ =	sdelay $0x4  }
0xa9: {  	v62 =	vshll.u32 v3, $0x3  }
0xaa: {  	v3 =	vand.u32 $0x7, v3;
	v4 =	vand.u32 $0xFFFFFFC0, v62  }
0xab: {  	v3 =	vor.u32 v3, v4  }
0xac: {  	v4 =	vperm.xlane v3, v0;
	_ =	sdelay $0x1  }
0xad: {  	v4 =	vadd.s32 v1, v4;
	_ =	sdelay $0x4  }
0xae: {  	[hbm4b:s3+s2] =	stream.indirect_vreg.scatter [tilespmem:s12], [sflag:$0x1], $0x80, v4, vm0, $0xb8;
	[tilespmem:$0x10080] =	vst v63  }
0xaf: {  	v3 =	vperm.xlane v3, v2  }
0xb0: {  	[hbm4b:s4+s2] =	stream.indirect_vreg.scatter [tilespmem:s13], [sflag:$0x1], $0x80, v4, vm0, $0xb8;
	[tilespmem:$0x10080] =	vst v63  }
0xb1: {  	v3 =	vadd.s32 v1, v3  }
0xb2: {  	[hbm4b:s5+s2] =	stream.indirect_vreg.scatter [tilespmem:s14], [sflag:$0x1], $0x80, v4, vm0, $0xb8;
	[tilespmem:$0x10080] =	vst v63  }
0xb3: {  	_ = 	snop  }
0xb4: {  	[hbm4b:s6+s2] =	stream.indirect_vreg.scatter [tilespmem:s15], [sflag:$0x1], $0x80, v4, vm0, $0xb8;
	[tilespmem:$0x10080] =	vst v63  }
0xb5: {  	_ = 	snop  }
0xb6: {  	[hbm4b:s3+s2] =	stream.indirect_vreg.scatter [tilespmem:s16], [sflag:$0x1], $0x80, v3, vm0, $0xb8;
	[tilespmem:$0x10080] =	vst v63  }
0xb7: {  	_ = 	snop  }
0xb8: {  	[hbm4b:s4+s2] =	stream.indirect_vreg.scatter [tilespmem:s17], [sflag:$0x1], $0x80, v3, vm0, $0xb8;
	[tilespmem:$0x10080] =	vst v63  }
0xb9: {  	_ = 	snop  }
0xba: {  	[hbm4b:s5+s2] =	stream.indirect_vreg.scatter [tilespmem:s9], [sflag:$0x1], $0x80, v3, vm0, $0xb8;
	[tilespmem:$0x10080] =	vst v63  }
0xbb: {  	s19 =	simm.s32 $0xB880  }
0xbc: {  	[hbm4b:s6+s2] =	stream.indirect_vreg.scatter [tilespmem:s19], [sflag:$0x1], $0x80, v3, vm0, $0xb8;
	[tilespmem:$0x10080] =	vst v63  }
0xbd: {  	v3 =	vld [tilespmem:$0x30];
	_ =	sdelay $0x4  }
0xbe: {  	v63 =	vshll.u32 v3, $0x3  }
0xbf: {  	v3 =	vand.u32 $0x7, v3;
	v4 =	vand.u32 $0xFFFFFFC0, v63  }
0xc0: {  	v3 =	vor.u32 v3, v4  }
0xc1: {  	v4 =	vperm.xlane v3, v0;
	_ =	sdelay $0x1  }
0xc2: {  	v4 =	vadd.s32 v1, v4;
	_ =	sdelay $0x3  }
0xc3: {  	s1 =	simm.s32 $0xC080  }
0xc4: {  	[hbm4b:s3+s2] =	stream.indirect_vreg.scatter [tilespmem:s1], [sflag:$0x1], $0x80, v4, vm0, $0xb8;
	[tilespmem:$0x10080] =	vst v63  }
0xc5: {  	s19 =	simm.s32 $0xC880;
	v3 =	vperm.xlane v3, v2  }
0xc6: {  	[hbm4b:s4+s2] =	stream.indirect_vreg.scatter [tilespmem:s19], [sflag:$0x1], $0x80, v4, vm0, $0xb8;
	[tilespmem:$0x10080] =	vst v63  }
0xc7: {  	v3 =	vadd.s32 v1, v3;
	s1 =	simm.s32 $0xD080  }
0xc8: {  	[hbm4b:s5+s2] =	stream.indirect_vreg.scatter [tilespmem:s1], [sflag:$0x1], $0x80, v4, vm0, $0xb8;
	[tilespmem:$0x10080] =	vst v63  }
0xc9: {  	s19 =	simm.s32 $0xD880  }
0xca: {  	[hbm4b:s6+s2] =	stream.indirect_vreg.scatter [tilespmem:s19], [sflag:$0x1], $0x80, v4, vm0, $0xb8;
	[tilespmem:$0x10080] =	vst v63  }
0xcb: {  	s1 =	simm.s32 $0xE080  }
0xcc: {  	[hbm4b:s3+s2] =	stream.indirect_vreg.scatter [tilespmem:s1], [sflag:$0x1], $0x80, v3, vm0, $0xb8;
	[tilespmem:$0x10080] =	vst v63  }
0xcd: {  	s19 =	simm.s32 $0xE880  }
0xce: {  	[hbm4b:s4+s2] =	stream.indirect_vreg.scatter [tilespmem:s19], [sflag:$0x1], $0x80, v3, vm0, $0xb8;
	[tilespmem:$0x10080] =	vst v63  }
0xcf: {  	p0 =	sne.s32 s7, $0x1;
	s1 =	simm.s32 $0xF080  }
0xd0: {  	[hbm4b:s5+s2] =	stream.indirect_vreg.scatter [tilespmem:s1], [sflag:$0x1], $0x80, v3, vm0, $0xb8;
	[tilespmem:$0x10080] =	vst v63  }
.Ltmp0:
0xd1: {  	s19 =	simm.s32 $0xF880;
	(pc) =	sbr.rel @p0 .LBB2_1-.Ltmp0, $4  }
0xd2: {  	[hbm4b:s6+s2] =	stream.indirect_vreg.scatter [tilespmem:s19], [sflag:$0x1], $0x80, v3, vm0, $0xb8;
	[tilespmem:$0x10080] =	vst v63  }
0xd3: {  	_ =	swait.ge [sflag:s18], $0x10000  }
0xd4: {  	[sflag:s18] =	ssyncset.done $0x0  }
0xd5: {  	s7 =	sadd.s32 $0xFFFFFFFF, s7;
	[sflag:s18] =	ssyncadd.s32 $0xFFFF0000  }
0xd6: {  	_ =	sfence.sel $0x180000  }
0xd7: {  	[bflag:$0x0] =	sbarrier.arrive $0xFFFF  }
0xd8: {  	_ =	strace $0x90000047  }
0xd9: {  	s0 =	stileid.u32;
	[bflag:$0x2] =	sbarrier.arrive $0xFFFF  }
0xda: {  	p0 =	sne.s32 s0, $0x0;
	s0 =	rddreg [dreg:$0x2]  }
0xdb: {  	s0 =	sadd.s32 @!p0 $0x100000, s0  }
0xdc: {  	[sflag:s0] =	ssyncadd.tile.s32 @!p0 $0x1;
	_ =	shalt  }
.Lfunc_end2:
_tile_overlayer_lowered:
.L_overlay_start_2:
0xdd: {  	(tag) =	ssettag $0x2  }
0xde: {  	s0 =	rddreg [dreg:$0x0];
	s2 =	stileid.u32  }
0xdf: {  	s1 =	rddreg [dreg:$0x1];
	p0 =	sne.s32 s2, $0x0  }
0xe0: {  	s3 =	rddreg [dreg:$0x2];
	[bflag:$0x3] =	sbarrier.arrive $0xFFFF;
	s2 =	simm.s32 @!p0 $0x1C02  }
0xe1: {  	[timem:s3], [sflag:s2] =	dma.local @!p0 [hbm:s0], s1  }
0xe2: {  	s0 =	simm.s32 @!p0 $0x2  }
0xe3: {  	_ =	swait.ge @!p0 [sflag:s0], s1  }
0xe4: {  	s1 =	ssub.s32 @!p0 $0x0, s1;
	[sflag:s0] =	ssyncset.done @!p0 $0x0  }
0xe5: {  	[sflag:s0] =	ssyncadd.s32 @!p0 s1  }
0xe6: {  	[bflag:$0x3] =	sbarrier.arrive $0xFFFF  }
0xe7: {  	_ =	shalt  }

</sc_bundles>
